<compile_context>
chip_gen: v7x
topology: tpu7x:2x2x1
jax: 0.10.2.dev20260603
libtpu: 0.0.44.dev20260713+nightly
codegen_flags: <defaults>
</compile_context>

<pallas_src>
import functools

import jax
import jax.numpy as jnp
import numpy as np
from jax import lax
from jax.experimental import pallas as pl
from jax.experimental.pallas import tpu as pltpu
from jax.experimental.pallas import tpu_sc as plsc

_B, _L, _D = 1024, 200, 32
_SAMPLE_NUM = 10
_LM1 = _L - 1
_NNEG = _LM1 * _SAMPLE_NUM

_NC = 2
_NS = 16
_NW = _NC * _NS


def _sample_idx_table(L, sample_num, seed=0):
    rng = np.random.RandomState(seed)
    all_idx = [
        rng.choice([j for j in range(L) if j != idx_], size=sample_num, replace=False)
        for idx_ in range(L)
    ]
    return np.stack(all_idx[1:], axis=0).astype(np.int32)


def _routing_tables():
    flat = _sample_idx_table(_L, _SAMPLE_NUM).reshape(-1)
    counts = np.bincount(flat, minlength=_L).astype(np.int32)
    assert int(counts.max()) <= 31
    dtbl = np.zeros((_L, 32), np.int32)
    dtbl[:, 0] = counts
    fill = np.ones((_L,), np.int32)
    for k, j in enumerate(flat):
        dtbl[j, fill[j]] = k
        fill[j] += 1

    weight = counts + (np.arange(_L) >= 1)
    order = np.argsort(-weight, kind="stable")
    loads = np.zeros(_NW, np.int64)
    assign = [[] for _ in range(_NW)]
    for j in order:
        w = int(np.argmin(loads))
        loads[w] += int(weight[j])
        assign[w].append(int(j))
    max_slabs = max(len(a) for a in assign)
    assert max_slabs <= 15
    wtbl = np.zeros((_NW, 16), np.int32)
    for w, a in enumerate(assign):
        wtbl[w, 0] = len(a)
        wtbl[w, 1 : 1 + len(a)] = a
    return dtbl, wtbl


_DTBL, _WTBL = _routing_tables()

_mesh = plsc.VectorSubcoreMesh(core_axis_name="c", subcore_axis_name="s")


@functools.partial(
    pl.kernel,
    mesh=_mesh,
    out_type=(
        jax.ShapeDtypeStruct((_LM1, _D, _B), jnp.float32),
        jax.ShapeDtypeStruct((_NNEG, _D, _B), jnp.float32),
    ),
    scratch_types=[
        pltpu.VMEM((_L, 32), jnp.int32),
        pltpu.VMEM((_NW, 16), jnp.int32),
        pltpu.VMEM((2, _D, _B), jnp.float32),
        pltpu.SemaphoreType.DMA,
        pltpu.SemaphoreType.DMA,
    ],
    compiler_params=pltpu.CompilerParams(needs_layout_passes=False),
)
def _sc_route(
    x_hbm, dtbl_hbm, wtbl_hbm, pos_hbm, neg_hbm,
    dtbl_v, wtbl_v, slab_v, lsem, wsem,
):
    w = lax.axis_index("s") * _NC + lax.axis_index("c")
    pltpu.sync_copy(dtbl_hbm, dtbl_v)
    pltpu.sync_copy(wtbl_hbm, wtbl_v)
    lanes = lax.broadcasted_iota(jnp.int32, (16,), 0)
    wv = wtbl_v[w, pl.ds(0, 16)]

    def lane_of(vec, lane):
        return jnp.sum(jnp.where(lanes == lane, vec, 0))

    nslab = lane_of(wv, 0)
    j0 = lane_of(wv, 1)
    pltpu.async_copy(x_hbm.at[j0], slab_v.at[0], lsem)

    def slab_body(si, carry):
        p = si % 2
        j = lane_of(wv, si + 1)
        rv1 = dtbl_v[j, pl.ds(0, 16)]
        rv2 = dtbl_v[j, pl.ds(16, 16)]
        cnt = lane_of(rv1, 0)

        @pl.when(p == 0)
        def _():
            pltpu.make_async_copy(x_hbm.at[j], slab_v.at[0], lsem).wait()

        @pl.when(p == 1)
        def _():
            pltpu.make_async_copy(x_hbm.at[j], slab_v.at[1], lsem).wait()

        @pl.when(si + 1 < nslab)
        def _():
            jn = lane_of(wv, si + 2)

            @pl.when(p == 0)
            def _():
                pltpu.async_copy(x_hbm.at[jn], slab_v.at[1], lsem)

            @pl.when(p == 1)
            def _():
                pltpu.async_copy(x_hbm.at[jn], slab_v.at[0], lsem)

        def dest_body(c, carry2):
            cc = c + 1
            rv = jnp.where(cc < 16, rv1, rv2)
            lane = jnp.where(cc < 16, cc, cc - 16)
            d = jnp.sum(jnp.where(lanes == lane, rv, 0))

            @pl.when(p == 0)
            def _():
                pltpu.async_copy(slab_v.at[0], neg_hbm.at[d], wsem)

            @pl.when(p == 1)
            def _():
                pltpu.async_copy(slab_v.at[1], neg_hbm.at[d], wsem)

            return carry2

        lax.fori_loop(0, cnt, dest_body, 0)

        @pl.when((j >= 1) & (p == 0))
        def _():
            pltpu.async_copy(slab_v.at[0], pos_hbm.at[j - 1], wsem)

        @pl.when((j >= 1) & (p == 1))
        def _():
            pltpu.async_copy(slab_v.at[1], pos_hbm.at[j - 1], wsem)

        writes = cnt + jnp.where(j >= 1, 1, 0)

        def one(_, c):
            pltpu.make_async_copy(slab_v.at[0], neg_hbm.at[0], wsem).wait()
            return c

        lax.fori_loop(0, writes, one, 0)
        return carry

    lax.fori_loop(0, nslab, slab_body, 0)


def kernel(inputs):
    b, l, d = inputs.shape
    x_t = jnp.transpose(inputs, (1, 2, 0))
    pos_t, neg_t = _sc_route(x_t, jnp.asarray(_DTBL), jnp.asarray(_WTBL))
    pos = jnp.transpose(pos_t, (2, 0, 1))
    neg = jnp.transpose(
        neg_t.reshape(_LM1, _SAMPLE_NUM, d, b), (3, 0, 1, 2)
    )
    return pos, neg

# --- scband reference (transcript-rebuilt; emitter-appended) ---
"""Pipeline reference for scband-sample-layer-45724221833750 (READ-ONLY COPY).

The authoritative reference and input builder live on the scoring server;
editing this copy changes nothing except your own understanding.
"""

import jax, jax.numpy as jnp
import numpy as np

B, L, D = 1024, 200, 32
SAMPLE_NUM = 10


def _neg_indices(L, sample_num, seed=0):
    # Mirrors np.random.choice over the list of per-timestep tensors in the
    # original keras layer: for each position idx_, sample `sample_num`
    # distinct timesteps != idx_. The loop runs over all L positions and the
    # final [1:] slice keeps positions 1..L-1.
    rng = np.random.RandomState(seed)
    all_idx = [rng.choice([j for j in range(L) if j != idx_], size=sample_num, replace=False)
               for idx_ in range(L)]
    return np.stack(all_idx[1:], axis=0).astype(np.int32)  # [L-1, sample_num]


def setup_inputs(seed: int = 0) -> dict:
    key = jax.random.key(seed)
    inputs = jax.random.normal(key, (B, L, D), dtype=jnp.float32)
    return {"inputs": inputs}


def reference(inputs):
    b, l, d = inputs.shape
    # pos_seq: stack of timesteps 1..L-1 -> [B, L-1, D]
    pos_seq = inputs[:, 1:, :]
    # neg_seq: for each position 1..L-1, gather sample_num random other
    # timesteps -> [B, L-1, sample_num, D]
    neg_idx = jnp.asarray(_neg_indices(l, SAMPLE_NUM))  # [L-1, sample_num]
    flat_idx = neg_idx.reshape(-1)  # [(L-1)*sample_num]
    neg_seq = jnp.take(inputs, flat_idx, axis=1).reshape(b, l - 1, SAMPLE_NUM, d)
    return (pos_seq, neg_seq)

if __name__ == "__main__":
    import jax
    _d = setup_inputs()
    print(jax.jit(kernel)(*tuple(_d.values())))

</pallas_src>

<mosaic_0001>
#map = affine_map<(d0, d1) -> (0, 0, 0)>
#map1 = affine_map<(d0, d1) -> (0, 0)>
module attributes {stable_mosaic.version = 14 : i64} {
  func.func @_sc_route(%arg0: i32, %arg1: i32, %arg2: memref<200x32x1024xf32, #tpu.memory_space<hbm>>, %arg3: memref<200x32xi32, #tpu.memory_space<hbm>>, %arg4: memref<32x16xi32, #tpu.memory_space<hbm>>, %arg5: memref<199x32x1024xf32, #tpu.memory_space<hbm>>, %arg6: memref<1990x32x1024xf32, #tpu.memory_space<hbm>>, %arg7: memref<200x32xi32, #tpu.memory_space<vmem>>, %arg8: memref<32x16xi32, #tpu.memory_space<vmem>>, %arg9: memref<2x32x1024xf32, #tpu.memory_space<vmem>>, %arg10: memref<!tpu.dma_semaphore, #tpu.memory_space<semaphore_mem>>, %arg11: memref<!tpu.dma_semaphore, #tpu.memory_space<semaphore_mem>>) attributes {dimension_semantics = [#tpu.dimension_semantics<core_parallel>, #tpu.dimension_semantics<subcore_parallel>], iteration_bounds = array<i64: 2, 16>, scalar_prefetch = 0 : i64, scratch_operands = 5 : i64, tpu.core_type = #tpu.core_type<sc_vector_subcore>, window_params = [{transform_indices = #map}, {transform_indices = #map1}, {transform_indices = #map1}, {transform_indices = #map}, {transform_indices = #map}]} {
    %mul3A = arith.constant 2 : i32
    %mul3A_0 = arith.muli %arg1, %mul3A : i32
    %add3A = arith.addi %mul3A_0, %arg0 : i32
    "tpu.region"() ({
      %run_scoped3A = tpu.sem_alloc : memref<!tpu.dma_semaphore, #tpu.memory_space<semaphore_mem>>
      tpu.enqueue_dma source(%arg3 : memref<200x32xi32, #tpu.memory_space<hbm>>) target(%arg7 : memref<200x32xi32, #tpu.memory_space<vmem>>) target_semaphore(%run_scoped3A : memref<!tpu.dma_semaphore, #tpu.memory_space<semaphore_mem>>)
      tpu.wait_dma2 semaphore(%run_scoped3A : memref<!tpu.dma_semaphore, #tpu.memory_space<semaphore_mem>>) src(%arg3 : memref<200x32xi32, #tpu.memory_space<hbm>>) dst(%arg7 : memref<200x32xi32, #tpu.memory_space<vmem>>)
      tpu.yield
    }) : () -> ()
    "tpu.region"() ({
      %run_scoped3A = tpu.sem_alloc : memref<!tpu.dma_semaphore, #tpu.memory_space<semaphore_mem>>
      tpu.enqueue_dma source(%arg4 : memref<32x16xi32, #tpu.memory_space<hbm>>) target(%arg8 : memref<32x16xi32, #tpu.memory_space<vmem>>) target_semaphore(%run_scoped3A : memref<!tpu.dma_semaphore, #tpu.memory_space<semaphore_mem>>)
      tpu.wait_dma2 semaphore(%run_scoped3A : memref<!tpu.dma_semaphore, #tpu.memory_space<semaphore_mem>>) src(%arg4 : memref<32x16xi32, #tpu.memory_space<hbm>>) dst(%arg8 : memref<32x16xi32, #tpu.memory_space<vmem>>)
      tpu.yield
    }) : () -> ()
    %iota3A = tpu.iota {dimensions = array<i32: 0>} : vector<16xi32>
    %get3A = arith.index_cast %add3A : i32 to index
    %get3A_1 = arith.constant 0 : index
    %get3A_2 = tpu.vector_load %arg8[%get3A, %get3A_1] {strides = array<i32>} : memref<32x16xi32, #tpu.memory_space<vmem>>, vector<16xi32>,
    %eq3A = arith.constant 0 : i32
    %eq3A_3 = vector.broadcast %eq3A : i32 to vector<16xi32>
    %eq3A_4 = arith.cmpi eq, %iota3A, %eq3A_3 : vector<16xi32>
    %jit3A = arith.constant 0 : i32
    %broadcast_in_dim3A = vector.broadcast %jit3A : i32 to vector<16xi32>
    %select_n3A = arith.select %eq3A_4, %get3A_2, %broadcast_in_dim3A : vector<16xi1>, vector<16xi32>
    %reduce_sum3A = arith.constant true
    %reduce_sum3A_5 = vector.broadcast %reduce_sum3A : i1 to vector<16xi1>
    %reduce_sum3A_6 = tpu.scan <sum>, %select_n3A masked %reduce_sum3A_5 : vector<16xi32>, vector<16xi1> -> vector<16xi32>
    %reduce_sum3A_7 = vector.extract %reduce_sum3A_6[15] : i32 from vector<16xi32>
    %eq3A_8 = arith.constant 1 : i32
    %eq3A_9 = vector.broadcast %eq3A_8 : i32 to vector<16xi32>
    %eq3A_10 = arith.cmpi eq, %iota3A, %eq3A_9 : vector<16xi32>
    %jit3A_11 = arith.constant 0 : i32
    %broadcast_in_dim3A_12 = vector.broadcast %jit3A_11 : i32 to vector<16xi32>
    %select_n3A_13 = arith.select %eq3A_10, %get3A_2, %broadcast_in_dim3A_12 : vector<16xi1>, vector<16xi32>
    %reduce_sum3A_14 = arith.constant true
    %reduce_sum3A_15 = vector.broadcast %reduce_sum3A_14 : i1 to vector<16xi1>
    %reduce_sum3A_16 = tpu.scan <sum>, %select_n3A_13 masked %reduce_sum3A_15 : vector<16xi32>, vector<16xi1> -> vector<16xi32>
    %reduce_sum3A_17 = vector.extract %reduce_sum3A_16[15] : i32 from vector<16xi32>
    %dma_start3A = arith.constant 0 : i32
    %dma_start3A_18 = arith.constant 0 : i32
    %dma_start3A_19 = arith.constant 0 : i32
    %dma_start3A_20 = tpu.memref_slice %arg9[%dma_start3A, %dma_start3A_18, %dma_start3A_19] : memref<2x32x1024xf32, #tpu.memory_space<vmem>> -> memref<1x32x1024xf32, #tpu.memory_space<vmem>>
    %dma_start3A_21 = tpu.memref_squeeze %dma_start3A_20 : memref<1x32x1024xf32, #tpu.memory_space<vmem>> -> memref<32x1024xf32, #tpu.memory_space<vmem>>
    %dma_start3A_22 = arith.constant 0 : i32
    %dma_start3A_23 = arith.constant 0 : i32
    %dma_start3A_24 = tpu.memref_slice %arg2[%reduce_sum3A_17, %dma_start3A_22, %dma_start3A_23] : memref<200x32x1024xf32, #tpu.memory_space<hbm>> -> memref<1x32x1024xf32, #tpu.memory_space<hbm>>
    %dma_start3A_25 = tpu.memref_squeeze %dma_start3A_24 : memref<1x32x1024xf32, #tpu.memory_space<hbm>> -> memref<32x1024xf32, #tpu.memory_space<hbm>>
    %dma_start3A_26 = arith.constant 0 : i32
    %dma_start3A_27 = arith.constant 0 : i32
    %dma_start3A_28 = tpu.memref_slice %arg9[%dma_start3A, %dma_start3A_26, %dma_start3A_27] : memref<2x32x1024xf32, #tpu.memory_space<vmem>> -> memref<1x32x1024xf32, #tpu.memory_space<vmem>>
    %dma_start3A_29 = tpu.memref_squeeze %dma_start3A_28 : memref<1x32x1024xf32, #tpu.memory_space<vmem>> -> memref<32x1024xf32, #tpu.memory_space<vmem>>
    %dma_start3A_30 = arith.constant 0 : i32
    %dma_start3A_31 = arith.constant 0 : i32
    %dma_start3A_32 = tpu.memref_slice %arg2[%reduce_sum3A_17, %dma_start3A_30, %dma_start3A_31] : memref<200x32x1024xf32, #tpu.memory_space<hbm>> -> memref<1x32x1024xf32, #tpu.memory_space<hbm>>
    %dma_start3A_33 = tpu.memref_squeeze %dma_start3A_32 : memref<1x32x1024xf32, #tpu.memory_space<hbm>> -> memref<32x1024xf32, #tpu.memory_space<hbm>>
    tpu.enqueue_dma source(%dma_start3A_33 : memref<32x1024xf32, #tpu.memory_space<hbm>>) target(%dma_start3A_29 : memref<32x1024xf32, #tpu.memory_space<vmem>>) target_semaphore(%arg10 : memref<!tpu.dma_semaphore, #tpu.memory_space<semaphore_mem>>)
    %while3A = arith.constant 0 : i32
    %while3A_34 = arith.constant 0 : i32
    %while3A_35 = arith.subi %reduce_sum3A_7, %while3A_34 : i32
    %while3A_36 = arith.addi %while3A_34, %while3A_35 : i32
    %while3A_37 = arith.constant 1 : i32
    %while3A_38 = arith.divsi %while3A_35, %while3A_37 : i32
    %while3A_39 = arith.muli %while3A_38, %while3A_37 : i32
    %while3A_40 = arith.addi %while3A_34, %while3A_39 : i32
    %while3A_41 = arith.constant 1 : i32
    scf.for %while3A_43 = %while3A_34 to %while3A_40 step %while3A_41  : i32 {
      %jit3A_44 = arith.constant 2 : i32
      %eq3A_45 = arith.constant 0 : i32
      %eq3A_46 = arith.cmpi eq, %jit3A_44, %eq3A_45 : i32
      %jit3A_47 = arith.constant 1 : i32
      %select_n3A_48 = arith.select %eq3A_46, %jit3A_47, %jit3A_44 : i32
      %rem3A = arith.remsi %while3A_43, %select_n3A_48 : i32
      %ne3A = arith.constant 0 : i32
      %ne3A_49 = arith.cmpi ne, %rem3A, %ne3A : i32
      %lt3A = arith.constant 0 : i32
      %lt3A_50 = arith.cmpi slt, %rem3A, %lt3A : i32
      %lt3A_51 = arith.constant 0 : i32
      %lt3A_52 = arith.cmpi slt, %select_n3A_48, %lt3A_51 : i32
      %ne3A_53 = arith.xori %lt3A_50, %lt3A_52 : i1
      %and3A = arith.andi %ne3A_53, %ne3A_49 : i1
      %add3A_54 = arith.addi %rem3A, %select_n3A_48 : i32
      %select_n3A_55 = arith.select %and3A, %add3A_54, %rem3A : i32
      %add3A_56 = arith.constant 1 : i32
      %add3A_57 = arith.addi %while3A_43, %add3A_56 : i32
      %eq3A_58 = vector.broadcast %add3A_57 : i32 to vector<16xi32>
      %eq3A_59 = arith.cmpi eq, %iota3A, %eq3A_58 : vector<16xi32>
      %jit3A_60 = arith.constant 0 : i32
      %broadcast_in_dim3A_61 = vector.broadcast %jit3A_60 : i32 to vector<16xi32>
      %select_n3A_62 = arith.select %eq3A_59, %get3A_2, %broadcast_in_dim3A_61 : vector<16xi1>, vector<16xi32>
      %reduce_sum3A_63 = arith.constant true
      %reduce_sum3A_64 = vector.broadcast %reduce_sum3A_63 : i1 to vector<16xi1>
      %reduce_sum3A_65 = tpu.scan <sum>, %select_n3A_62 masked %reduce_sum3A_64 : vector<16xi32>, vector<16xi1> -> vector<16xi32>
      %reduce_sum3A_66 = vector.extract %reduce_sum3A_65[15] : i32 from vector<16xi32>
      %get3A_67 = arith.index_cast %reduce_sum3A_66 : i32 to index
      %get3A_68 = arith.constant 0 : index
      %get3A_69 = tpu.vector_load %arg7[%get3A_67, %get3A_68] {strides = array<i32>} : memref<200x32xi32, #tpu.memory_space<vmem>>, vector<16xi32>,
      %get3A_70 = arith.index_cast %reduce_sum3A_66 : i32 to index
      %get3A_71 = arith.constant 16 : index
      %get3A_72 = tpu.vector_load %arg7[%get3A_70, %get3A_71] {strides = array<i32>} : memref<200x32xi32, #tpu.memory_space<vmem>>, vector<16xi32>,
      %eq3A_73 = arith.constant 0 : i32
      %eq3A_74 = vector.broadcast %eq3A_73 : i32 to vector<16xi32>
      %eq3A_75 = arith.cmpi eq, %iota3A, %eq3A_74 : vector<16xi32>
      %jit3A_76 = arith.constant 0 : i32
      %broadcast_in_dim3A_77 = vector.broadcast %jit3A_76 : i32 to vector<16xi32>
      %select_n3A_78 = arith.select %eq3A_75, %get3A_69, %broadcast_in_dim3A_77 : vector<16xi1>, vector<16xi32>
      %reduce_sum3A_79 = arith.constant true
      %reduce_sum3A_80 = vector.broadcast %reduce_sum3A_79 : i1 to vector<16xi1>
      %reduce_sum3A_81 = tpu.scan <sum>, %select_n3A_78 masked %reduce_sum3A_80 : vector<16xi32>, vector<16xi1> -> vector<16xi32>
      %reduce_sum3A_82 = vector.extract %reduce_sum3A_81[15] : i32 from vector<16xi32>
      %eq3A_83 = arith.constant 0 : i32
      %eq3A_84 = arith.cmpi eq, %select_n3A_55, %eq3A_83 : i32
      %convert_element_type3A = arith.extui %eq3A_84 : i1 to i32
      %cond3A = arith.constant 0 : i32
      %cond3A_85 = arith.cmpi ne, %convert_element_type3A, %cond3A : i32
      scf.if %cond3A_85 {
        %dma_wait3A = arith.constant 0 : i32
        %dma_wait3A_138 = arith.constant 0 : i32
        %dma_wait3A_139 = arith.constant 0 : i32
        %dma_wait3A_140 = tpu.memref_slice %arg9[%dma_wait3A, %dma_wait3A_138, %dma_wait3A_139] : memref<2x32x1024xf32, #tpu.memory_space<vmem>> -> memref<1x32x1024xf32, #tpu.memory_space<vmem>>
        %dma_wait3A_141 = tpu.memref_squeeze %dma_wait3A_140 : memref<1x32x1024xf32, #tpu.memory_space<vmem>> -> memref<32x1024xf32, #tpu.memory_space<vmem>>
        %dma_wait3A_142 = arith.constant 0 : i32
        %dma_wait3A_143 = arith.constant 0 : i32
        %dma_wait3A_144 = tpu.memref_slice %arg2[%reduce_sum3A_66, %dma_wait3A_142, %dma_wait3A_143] : memref<200x32x1024xf32, #tpu.memory_space<hbm>> -> memref<1x32x1024xf32, #tpu.memory_space<hbm>>
        %dma_wait3A_145 = tpu.memref_squeeze %dma_wait3A_144 : memref<1x32x1024xf32, #tpu.memory_space<hbm>> -> memref<32x1024xf32, #tpu.memory_space<hbm>>
        %dma_wait3A_146 = arith.constant 0 : i32
        %dma_wait3A_147 = arith.constant 0 : i32
        %dma_wait3A_148 = tpu.memref_slice %arg9[%dma_wait3A, %dma_wait3A_146, %dma_wait3A_147] : memref<2x32x1024xf32, #tpu.memory_space<vmem>> -> memref<1x32x1024xf32, #tpu.memory_space<vmem>>
        %dma_wait3A_149 = tpu.memref_squeeze %dma_wait3A_148 : memref<1x32x1024xf32, #tpu.memory_space<vmem>> -> memref<32x1024xf32, #tpu.memory_space<vmem>>
        %dma_wait3A_150 = arith.constant 0 : i32
        %dma_wait3A_151 = arith.constant 0 : i32
        %dma_wait3A_152 = tpu.memref_slice %arg2[%reduce_sum3A_66, %dma_wait3A_150, %dma_wait3A_151] : memref<200x32x1024xf32, #tpu.memory_space<hbm>> -> memref<1x32x1024xf32, #tpu.memory_space<hbm>>
        %dma_wait3A_153 = tpu.memref_squeeze %dma_wait3A_152 : memref<1x32x1024xf32, #tpu.memory_space<hbm>> -> memref<32x1024xf32, #tpu.memory_space<hbm>>
        tpu.wait_dma2 semaphore(%arg10 : memref<!tpu.dma_semaphore, #tpu.memory_space<semaphore_mem>>) src(%dma_wait3A_153 : memref<32x1024xf32, #tpu.memory_space<hbm>>) dst(%dma_wait3A_149 : memref<32x1024xf32, #tpu.memory_space<vmem>>)
      } else {
      }
      %eq3A_86 = arith.constant 1 : i32
      %eq3A_87 = arith.cmpi eq, %select_n3A_55, %eq3A_86 : i32
      %convert_element_type3A_88 = arith.extui %eq3A_87 : i1 to i32
      %cond3A_89 = arith.constant 0 : i32
      %cond3A_90 = arith.cmpi ne, %convert_element_type3A_88, %cond3A_89 : i32
      scf.if %cond3A_90 {
        %dma_wait3A = arith.constant 1 : i32
        %dma_wait3A_138 = arith.constant 0 : i32
        %dma_wait3A_139 = arith.constant 0 : i32
        %dma_wait3A_140 = tpu.memref_slice %arg9[%dma_wait3A, %dma_wait3A_138, %dma_wait3A_139] : memref<2x32x1024xf32, #tpu.memory_space<vmem>> -> memref<1x32x1024xf32, #tpu.memory_space<vmem>>
        %dma_wait3A_141 = tpu.memref_squeeze %dma_wait3A_140 : memref<1x32x1024xf32, #tpu.memory_space<vmem>> -> memref<32x1024xf32, #tpu.memory_space<vmem>>
        %dma_wait3A_142 = arith.constant 0 : i32
        %dma_wait3A_143 = arith.constant 0 : i32
        %dma_wait3A_144 = tpu.memref_slice %arg2[%reduce_sum3A_66, %dma_wait3A_142, %dma_wait3A_143] : memref<200x32x1024xf32, #tpu.memory_space<hbm>> -> memref<1x32x1024xf32, #tpu.memory_space<hbm>>
        %dma_wait3A_145 = tpu.memref_squeeze %dma_wait3A_144 : memref<1x32x1024xf32, #tpu.memory_space<hbm>> -> memref<32x1024xf32, #tpu.memory_space<hbm>>
        %dma_wait3A_146 = arith.constant 0 : i32
        %dma_wait3A_147 = arith.constant 0 : i32
        %dma_wait3A_148 = tpu.memref_slice %arg9[%dma_wait3A, %dma_wait3A_146, %dma_wait3A_147] : memref<2x32x1024xf32, #tpu.memory_space<vmem>> -> memref<1x32x1024xf32, #tpu.memory_space<vmem>>
        %dma_wait3A_149 = tpu.memref_squeeze %dma_wait3A_148 : memref<1x32x1024xf32, #tpu.memory_space<vmem>> -> memref<32x1024xf32, #tpu.memory_space<vmem>>
        %dma_wait3A_150 = arith.constant 0 : i32
        %dma_wait3A_151 = arith.constant 0 : i32
        %dma_wait3A_152 = tpu.memref_slice %arg2[%reduce_sum3A_66, %dma_wait3A_150, %dma_wait3A_151] : memref<200x32x1024xf32, #tpu.memory_space<hbm>> -> memref<1x32x1024xf32, #tpu.memory_space<hbm>>
        %dma_wait3A_153 = tpu.memref_squeeze %dma_wait3A_152 : memref<1x32x1024xf32, #tpu.memory_space<hbm>> -> memref<32x1024xf32, #tpu.memory_space<hbm>>
        tpu.wait_dma2 semaphore(%arg10 : memref<!tpu.dma_semaphore, #tpu.memory_space<semaphore_mem>>) src(%dma_wait3A_153 : memref<32x1024xf32, #tpu.memory_space<hbm>>) dst(%dma_wait3A_149 : memref<32x1024xf32, #tpu.memory_space<vmem>>)
      } else {
      }
      %add3A_91 = arith.constant 1 : i32
      %add3A_92 = arith.addi %while3A_43, %add3A_91 : i32
      %lt3A_93 = arith.cmpi slt, %add3A_92, %reduce_sum3A_7 : i32
      %convert_element_type3A_94 = arith.extui %lt3A_93 : i1 to i32
      %cond3A_95 = arith.constant 0 : i32
      %cond3A_96 = arith.cmpi ne, %convert_element_type3A_94, %cond3A_95 : i32
      scf.if %cond3A_96 {
        %add3A_138 = arith.constant 2 : i32
        %add3A_139 = arith.addi %while3A_43, %add3A_138 : i32
        %eq3A_140 = vector.broadcast %add3A_139 : i32 to vector<16xi32>
        %eq3A_141 = arith.cmpi eq, %iota3A, %eq3A_140 : vector<16xi32>
        %jit3A_142 = arith.constant 0 : i32
        %broadcast_in_dim3A_143 = vector.broadcast %jit3A_142 : i32 to vector<16xi32>
        %select_n3A_144 = arith.select %eq3A_141, %get3A_2, %broadcast_in_dim3A_143 : vector<16xi1>, vector<16xi32>
        %reduce_sum3A_145 = arith.constant true
        %reduce_sum3A_146 = vector.broadcast %reduce_sum3A_145 : i1 to vector<16xi1>
        %reduce_sum3A_147 = tpu.scan <sum>, %select_n3A_144 masked %reduce_sum3A_146 : vector<16xi32>, vector<16xi1> -> vector<16xi32>
        %reduce_sum3A_148 = vector.extract %reduce_sum3A_147[15] : i32 from vector<16xi32>
        %eq3A_149 = arith.constant 0 : i32
        %eq3A_150 = arith.cmpi eq, %select_n3A_55, %eq3A_149 : i32
        %convert_element_type3A_151 = arith.extui %eq3A_150 : i1 to i32
        %cond3A_152 = arith.constant 0 : i32
        %cond3A_153 = arith.cmpi ne, %convert_element_type3A_151, %cond3A_152 : i32
        scf.if %cond3A_153 {
          %dma_start3A_159 = arith.constant 1 : i32
          %dma_start3A_160 = arith.constant 0 : i32
          %dma_start3A_161 = arith.constant 0 : i32
          %dma_start3A_162 = tpu.memref_slice %arg9[%dma_start3A_159, %dma_start3A_160, %dma_start3A_161] : memref<2x32x1024xf32, #tpu.memory_space<vmem>> -> memref<1x32x1024xf32, #tpu.memory_space<vmem>>
          %dma_start3A_163 = tpu.memref_squeeze %dma_start3A_162 : memref<1x32x1024xf32, #tpu.memory_space<vmem>> -> memref<32x1024xf32, #tpu.memory_space<vmem>>
          %dma_start3A_164 = arith.constant 0 : i32
          %dma_start3A_165 = arith.constant 0 : i32
          %dma_start3A_166 = tpu.memref_slice %arg2[%reduce_sum3A_148, %dma_start3A_164, %dma_start3A_165] : memref<200x32x1024xf32, #tpu.memory_space<hbm>> -> memref<1x32x1024xf32, #tpu.memory_space<hbm>>
          %dma_start3A_167 = tpu.memref_squeeze %dma_start3A_166 : memref<1x32x1024xf32, #tpu.memory_space<hbm>> -> memref<32x1024xf32, #tpu.memory_space<hbm>>
          %dma_start3A_168 = arith.constant 0 : i32
          %dma_start3A_169 = arith.constant 0 : i32
          %dma_start3A_170 = tpu.memref_slice %arg9[%dma_start3A_159, %dma_start3A_168, %dma_start3A_169] : memref<2x32x1024xf32, #tpu.memory_space<vmem>> -> memref<1x32x1024xf32, #tpu.memory_space<vmem>>
          %dma_start3A_171 = tpu.memref_squeeze %dma_start3A_170 : memref<1x32x1024xf32, #tpu.memory_space<vmem>> -> memref<32x1024xf32, #tpu.memory_space<vmem>>
          %dma_start3A_172 = arith.constant 0 : i32
          %dma_start3A_173 = arith.constant 0 : i32
          %dma_start3A_174 = tpu.memref_slice %arg2[%reduce_sum3A_148, %dma_start3A_172, %dma_start3A_173] : memref<200x32x1024xf32, #tpu.memory_space<hbm>> -> memref<1x32x1024xf32, #tpu.memory_space<hbm>>
          %dma_start3A_175 = tpu.memref_squeeze %dma_start3A_174 : memref<1x32x1024xf32, #tpu.memory_space<hbm>> -> memref<32x1024xf32, #tpu.memory_space<hbm>>
          tpu.enqueue_dma source(%dma_start3A_175 : memref<32x1024xf32, #tpu.memory_space<hbm>>) target(%dma_start3A_171 : memref<32x1024xf32, #tpu.memory_space<vmem>>) target_semaphore(%arg10 : memref<!tpu.dma_semaphore, #tpu.memory_space<semaphore_mem>>)
        } else {
        }
        %eq3A_154 = arith.constant 1 : i32
        %eq3A_155 = arith.cmpi eq, %select_n3A_55, %eq3A_154 : i32
        %convert_element_type3A_156 = arith.extui %eq3A_155 : i1 to i32
        %cond3A_157 = arith.constant 0 : i32
        %cond3A_158 = arith.cmpi ne, %convert_element_type3A_156, %cond3A_157 : i32
        scf.if %cond3A_158 {
          %dma_start3A_159 = arith.constant 0 : i32
          %dma_start3A_160 = arith.constant 0 : i32
          %dma_start3A_161 = arith.constant 0 : i32
          %dma_start3A_162 = tpu.memref_slice %arg9[%dma_start3A_159, %dma_start3A_160, %dma_start3A_161] : memref<2x32x1024xf32, #tpu.memory_space<vmem>> -> memref<1x32x1024xf32, #tpu.memory_space<vmem>>
          %dma_start3A_163 = tpu.memref_squeeze %dma_start3A_162 : memref<1x32x1024xf32, #tpu.memory_space<vmem>> -> memref<32x1024xf32, #tpu.memory_space<vmem>>
          %dma_start3A_164 = arith.constant 0 : i32
          %dma_start3A_165 = arith.constant 0 : i32
          %dma_start3A_166 = tpu.memref_slice %arg2[%reduce_sum3A_148, %dma_start3A_164, %dma_start3A_165] : memref<200x32x1024xf32, #tpu.memory_space<hbm>> -> memref<1x32x1024xf32, #tpu.memory_space<hbm>>
          %dma_start3A_167 = tpu.memref_squeeze %dma_start3A_166 : memref<1x32x1024xf32, #tpu.memory_space<hbm>> -> memref<32x1024xf32, #tpu.memory_space<hbm>>
          %dma_start3A_168 = arith.constant 0 : i32
          %dma_start3A_169 = arith.constant 0 : i32
          %dma_start3A_170 = tpu.memref_slice %arg9[%dma_start3A_159, %dma_start3A_168, %dma_start3A_169] : memref<2x32x1024xf32, #tpu.memory_space<vmem>> -> memref<1x32x1024xf32, #tpu.memory_space<vmem>>
          %dma_start3A_171 = tpu.memref_squeeze %dma_start3A_170 : memref<1x32x1024xf32, #tpu.memory_space<vmem>> -> memref<32x1024xf32, #tpu.memory_space<vmem>>
          %dma_start3A_172 = arith.constant 0 : i32
          %dma_start3A_173 = arith.constant 0 : i32
          %dma_start3A_174 = tpu.memref_slice %arg2[%reduce_sum3A_148, %dma_start3A_172, %dma_start3A_173] : memref<200x32x1024xf32, #tpu.memory_space<hbm>> -> memref<1x32x1024xf32, #tpu.memory_space<hbm>>
          %dma_start3A_175 = tpu.memref_squeeze %dma_start3A_174 : memref<1x32x1024xf32, #tpu.memory_space<hbm>> -> memref<32x1024xf32, #tpu.memory_space<hbm>>
          tpu.enqueue_dma source(%dma_start3A_175 : memref<32x1024xf32, #tpu.memory_space<hbm>>) target(%dma_start3A_171 : memref<32x1024xf32, #tpu.memory_space<vmem>>) target_semaphore(%arg10 : memref<!tpu.dma_semaphore, #tpu.memory_space<semaphore_mem>>)
        } else {
        }
      } else {
      }
      %while3A_97 = arith.constant 0 : i32
      %while3A_98 = arith.constant 0 : i32
      %while3A_99 = arith.subi %reduce_sum3A_82, %while3A_98 : i32
      %while3A_100 = arith.addi %while3A_98, %while3A_99 : i32
      %while3A_101 = arith.constant 1 : i32
      %while3A_102 = arith.divsi %while3A_99, %while3A_101 : i32
      %while3A_103 = arith.muli %while3A_102, %while3A_101 : i32
      %while3A_104 = arith.addi %while3A_98, %while3A_103 : i32
      %while3A_105 = arith.constant 1 : i32
      scf.for %while3A_138 = %while3A_98 to %while3A_104 step %while3A_105  : i32 {
        %add3A_139 = arith.constant 1 : i32
        %add3A_140 = arith.addi %while3A_138, %add3A_139 : i32
        %lt3A_141 = arith.constant 16 : i32
        %lt3A_142 = arith.cmpi slt, %add3A_140, %lt3A_141 : i32
        %select_n3A_143 = arith.select %lt3A_142, %get3A_69, %get3A_72 : vector<16xi32>
        %lt3A_144 = arith.constant 16 : i32
        %lt3A_145 = arith.cmpi slt, %add3A_140, %lt3A_144 : i32
        %sub3A = arith.constant 16 : i32
        %sub3A_146 = arith.subi %add3A_140, %sub3A : i32
        %select_n3A_147 = arith.select %lt3A_145, %add3A_140, %sub3A_146 : i32
        %eq3A_148 = vector.broadcast %select_n3A_147 : i32 to vector<16xi32>
        %eq3A_149 = arith.cmpi eq, %iota3A, %eq3A_148 : vector<16xi32>
        %jit3A_150 = arith.constant 0 : i32
        %broadcast_in_dim3A_151 = vector.broadcast %jit3A_150 : i32 to vector<16xi32>
        %select_n3A_152 = arith.select %eq3A_149, %select_n3A_143, %broadcast_in_dim3A_151 : vector<16xi1>, vector<16xi32>
        %reduce_sum3A_153 = arith.constant true
        %reduce_sum3A_154 = vector.broadcast %reduce_sum3A_153 : i1 to vector<16xi1>
        %reduce_sum3A_155 = tpu.scan <sum>, %select_n3A_152 masked %reduce_sum3A_154 : vector<16xi32>, vector<16xi1> -> vector<16xi32>
        %reduce_sum3A_156 = vector.extract %reduce_sum3A_155[15] : i32 from vector<16xi32>
        %eq3A_157 = arith.constant 0 : i32
        %eq3A_158 = arith.cmpi eq, %select_n3A_55, %eq3A_157 : i32
        %convert_element_type3A_159 = arith.extui %eq3A_158 : i1 to i32
        %cond3A_160 = arith.constant 0 : i32
        %cond3A_161 = arith.cmpi ne, %convert_element_type3A_159, %cond3A_160 : i32
        scf.if %cond3A_161 {
          %dma_start3A_167 = arith.constant 0 : i32
          %dma_start3A_168 = arith.constant 0 : i32
          %dma_start3A_169 = arith.constant 0 : i32
          %dma_start3A_170 = tpu.memref_slice %arg9[%dma_start3A_167, %dma_start3A_168, %dma_start3A_169] : memref<2x32x1024xf32, #tpu.memory_space<vmem>> -> memref<1x32x1024xf32, #tpu.memory_space<vmem>>
          %dma_start3A_171 = tpu.memref_squeeze %dma_start3A_170 : memref<1x32x1024xf32, #tpu.memory_space<vmem>> -> memref<32x1024xf32, #tpu.memory_space<vmem>>
          %dma_start3A_172 = arith.constant 0 : i32
          %dma_start3A_173 = arith.constant 0 : i32
          %dma_start3A_174 = tpu.memref_slice %arg6[%reduce_sum3A_156, %dma_start3A_172, %dma_start3A_173] : memref<1990x32x1024xf32, #tpu.memory_space<hbm>> -> memref<1x32x1024xf32, #tpu.memory_space<hbm>>
          %dma_start3A_175 = tpu.memref_squeeze %dma_start3A_174 : memref<1x32x1024xf32, #tpu.memory_space<hbm>> -> memref<32x1024xf32, #tpu.memory_space<hbm>>
          %dma_start3A_176 = arith.constant 0 : i32
          %dma_start3A_177 = arith.constant 0 : i32
          %dma_start3A_178 = tpu.memref_slice %arg6[%reduce_sum3A_156, %dma_start3A_176, %dma_start3A_177] : memref<1990x32x1024xf32, #tpu.memory_space<hbm>> -> memref<1x32x1024xf32, #tpu.memory_space<hbm>>
          %dma_start3A_179 = tpu.memref_squeeze %dma_start3A_178 : memref<1x32x1024xf32, #tpu.memory_space<hbm>> -> memref<32x1024xf32, #tpu.memory_space<hbm>>
          %dma_start3A_180 = arith.constant 0 : i32
          %dma_start3A_181 = arith.constant 0 : i32
          %dma_start3A_182 = tpu.memref_slice %arg9[%dma_start3A_167, %dma_start3A_180, %dma_start3A_181] : memref<2x32x1024xf32, #tpu.memory_space<vmem>> -> memref<1x32x1024xf32, #tpu.memory_space<vmem>>
          %dma_start3A_183 = tpu.memref_squeeze %dma_start3A_182 : memref<1x32x1024xf32, #tpu.memory_space<vmem>> -> memref<32x1024xf32, #tpu.memory_space<vmem>>
          tpu.enqueue_dma source(%dma_start3A_183 : memref<32x1024xf32, #tpu.memory_space<vmem>>) target(%dma_start3A_179 : memref<32x1024xf32, #tpu.memory_space<hbm>>) target_semaphore(%arg11 : memref<!tpu.dma_semaphore, #tpu.memory_space<semaphore_mem>>)
        } else {
        }
        %eq3A_162 = arith.constant 1 : i32
        %eq3A_163 = arith.cmpi eq, %select_n3A_55, %eq3A_162 : i32
        %convert_element_type3A_164 = arith.extui %eq3A_163 : i1 to i32
        %cond3A_165 = arith.constant 0 : i32
        %cond3A_166 = arith.cmpi ne, %convert_element_type3A_164, %cond3A_165 : i32
        scf.if %cond3A_166 {
          %dma_start3A_167 = arith.constant 1 : i32
          %dma_start3A_168 = arith.constant 0 : i32
          %dma_start3A_169 = arith.constant 0 : i32
          %dma_start3A_170 = tpu.memref_slice %arg9[%dma_start3A_167, %dma_start3A_168, %dma_start3A_169] : memref<2x32x1024xf32, #tpu.memory_space<vmem>> -> memref<1x32x1024xf32, #tpu.memory_space<vmem>>
          %dma_start3A_171 = tpu.memref_squeeze %dma_start3A_170 : memref<1x32x1024xf32, #tpu.memory_space<vmem>> -> memref<32x1024xf32, #tpu.memory_space<vmem>>
          %dma_start3A_172 = arith.constant 0 : i32
          %dma_start3A_173 = arith.constant 0 : i32
          %dma_start3A_174 = tpu.memref_slice %arg6[%reduce_sum3A_156, %dma_start3A_172, %dma_start3A_173] : memref<1990x32x1024xf32, #tpu.memory_space<hbm>> -> memref<1x32x1024xf32, #tpu.memory_space<hbm>>
          %dma_start3A_175 = tpu.memref_squeeze %dma_start3A_174 : memref<1x32x1024xf32, #tpu.memory_space<hbm>> -> memref<32x1024xf32, #tpu.memory_space<hbm>>
          %dma_start3A_176 = arith.constant 0 : i32
          %dma_start3A_177 = arith.constant 0 : i32
          %dma_start3A_178 = tpu.memref_slice %arg6[%reduce_sum3A_156, %dma_start3A_176, %dma_start3A_177] : memref<1990x32x1024xf32, #tpu.memory_space<hbm>> -> memref<1x32x1024xf32, #tpu.memory_space<hbm>>
          %dma_start3A_179 = tpu.memref_squeeze %dma_start3A_178 : memref<1x32x1024xf32, #tpu.memory_space<hbm>> -> memref<32x1024xf32, #tpu.memory_space<hbm>>
          %dma_start3A_180 = arith.constant 0 : i32
          %dma_start3A_181 = arith.constant 0 : i32
          %dma_start3A_182 = tpu.memref_slice %arg9[%dma_start3A_167, %dma_start3A_180, %dma_start3A_181] : memref<2x32x1024xf32, #tpu.memory_space<vmem>> -> memref<1x32x1024xf32, #tpu.memory_space<vmem>>
          %dma_start3A_183 = tpu.memref_squeeze %dma_start3A_182 : memref<1x32x1024xf32, #tpu.memory_space<vmem>> -> memref<32x1024xf32, #tpu.memory_space<vmem>>
          tpu.enqueue_dma source(%dma_start3A_183 : memref<32x1024xf32, #tpu.memory_space<vmem>>) target(%dma_start3A_179 : memref<32x1024xf32, #tpu.memory_space<hbm>>) target_semaphore(%arg11 : memref<!tpu.dma_semaphore, #tpu.memory_space<semaphore_mem>>)
        } else {
        }
      }
      %while3A_106 = arith.constant 1 : i32
      scf.for %while3A_138 = %while3A_104 to %while3A_100 step %while3A_106  : i32 {
        %add3A_139 = arith.constant 1 : i32
        %add3A_140 = arith.addi %while3A_138, %add3A_139 : i32
        %lt3A_141 = arith.constant 16 : i32
        %lt3A_142 = arith.cmpi slt, %add3A_140, %lt3A_141 : i32
        %select_n3A_143 = arith.select %lt3A_142, %get3A_69, %get3A_72 : vector<16xi32>
        %lt3A_144 = arith.constant 16 : i32
        %lt3A_145 = arith.cmpi slt, %add3A_140, %lt3A_144 : i32
        %sub3A = arith.constant 16 : i32
        %sub3A_146 = arith.subi %add3A_140, %sub3A : i32
        %select_n3A_147 = arith.select %lt3A_145, %add3A_140, %sub3A_146 : i32
        %eq3A_148 = vector.broadcast %select_n3A_147 : i32 to vector<16xi32>
        %eq3A_149 = arith.cmpi eq, %iota3A, %eq3A_148 : vector<16xi32>
        %jit3A_150 = arith.constant 0 : i32
        %broadcast_in_dim3A_151 = vector.broadcast %jit3A_150 : i32 to vector<16xi32>
        %select_n3A_152 = arith.select %eq3A_149, %select_n3A_143, %broadcast_in_dim3A_151 : vector<16xi1>, vector<16xi32>
        %reduce_sum3A_153 = arith.constant true
        %reduce_sum3A_154 = vector.broadcast %reduce_sum3A_153 : i1 to vector<16xi1>
        %reduce_sum3A_155 = tpu.scan <sum>, %select_n3A_152 masked %reduce_sum3A_154 : vector<16xi32>, vector<16xi1> -> vector<16xi32>
        %reduce_sum3A_156 = vector.extract %reduce_sum3A_155[15] : i32 from vector<16xi32>
        %eq3A_157 = arith.constant 0 : i32
        %eq3A_158 = arith.cmpi eq, %select_n3A_55, %eq3A_157 : i32
        %convert_element_type3A_159 = arith.extui %eq3A_158 : i1 to i32
        %cond3A_160 = arith.constant 0 : i32
        %cond3A_161 = arith.cmpi ne, %convert_element_type3A_159, %cond3A_160 : i32
        scf.if %cond3A_161 {
          %dma_start3A_167 = arith.constant 0 : i32
          %dma_start3A_168 = arith.constant 0 : i32
          %dma_start3A_169 = arith.constant 0 : i32
          %dma_start3A_170 = tpu.memref_slice %arg9[%dma_start3A_167, %dma_start3A_168, %dma_start3A_169] : memref<2x32x1024xf32, #tpu.memory_space<vmem>> -> memref<1x32x1024xf32, #tpu.memory_space<vmem>>
          %dma_start3A_171 = tpu.memref_squeeze %dma_start3A_170 : memref<1x32x1024xf32, #tpu.memory_space<vmem>> -> memref<32x1024xf32, #tpu.memory_space<vmem>>
          %dma_start3A_172 = arith.constant 0 : i32
          %dma_start3A_173 = arith.constant 0 : i32
          %dma_start3A_174 = tpu.memref_slice %arg6[%reduce_sum3A_156, %dma_start3A_172, %dma_start3A_173] : memref<1990x32x1024xf32, #tpu.memory_space<hbm>> -> memref<1x32x1024xf32, #tpu.memory_space<hbm>>
          %dma_start3A_175 = tpu.memref_squeeze %dma_start3A_174 : memref<1x32x1024xf32, #tpu.memory_space<hbm>> -> memref<32x1024xf32, #tpu.memory_space<hbm>>
          %dma_start3A_176 = arith.constant 0 : i32
          %dma_start3A_177 = arith.constant 0 : i32
          %dma_start3A_178 = tpu.memref_slice %arg6[%reduce_sum3A_156, %dma_start3A_176, %dma_start3A_177] : memref<1990x32x1024xf32, #tpu.memory_space<hbm>> -> memref<1x32x1024xf32, #tpu.memory_space<hbm>>
          %dma_start3A_179 = tpu.memref_squeeze %dma_start3A_178 : memref<1x32x1024xf32, #tpu.memory_space<hbm>> -> memref<32x1024xf32, #tpu.memory_space<hbm>>
          %dma_start3A_180 = arith.constant 0 : i32
          %dma_start3A_181 = arith.constant 0 : i32
          %dma_start3A_182 = tpu.memref_slice %arg9[%dma_start3A_167, %dma_start3A_180, %dma_start3A_181] : memref<2x32x1024xf32, #tpu.memory_space<vmem>> -> memref<1x32x1024xf32, #tpu.memory_space<vmem>>
          %dma_start3A_183 = tpu.memref_squeeze %dma_start3A_182 : memref<1x32x1024xf32, #tpu.memory_space<vmem>> -> memref<32x1024xf32, #tpu.memory_space<vmem>>
          tpu.enqueue_dma source(%dma_start3A_183 : memref<32x1024xf32, #tpu.memory_space<vmem>>) target(%dma_start3A_179 : memref<32x1024xf32, #tpu.memory_space<hbm>>) target_semaphore(%arg11 : memref<!tpu.dma_semaphore, #tpu.memory_space<semaphore_mem>>)
        } else {
        }
        %eq3A_162 = arith.constant 1 : i32
        %eq3A_163 = arith.cmpi eq, %select_n3A_55, %eq3A_162 : i32
        %convert_element_type3A_164 = arith.extui %eq3A_163 : i1 to i32
        %cond3A_165 = arith.constant 0 : i32
        %cond3A_166 = arith.cmpi ne, %convert_element_type3A_164, %cond3A_165 : i32
        scf.if %cond3A_166 {
          %dma_start3A_167 = arith.constant 1 : i32
          %dma_start3A_168 = arith.constant 0 : i32
          %dma_start3A_169 = arith.constant 0 : i32
          %dma_start3A_170 = tpu.memref_slice %arg9[%dma_start3A_167, %dma_start3A_168, %dma_start3A_169] : memref<2x32x1024xf32, #tpu.memory_space<vmem>> -> memref<1x32x1024xf32, #tpu.memory_space<vmem>>
          %dma_start3A_171 = tpu.memref_squeeze %dma_start3A_170 : memref<1x32x1024xf32, #tpu.memory_space<vmem>> -> memref<32x1024xf32, #tpu.memory_space<vmem>>
          %dma_start3A_172 = arith.constant 0 : i32
          %dma_start3A_173 = arith.constant 0 : i32
          %dma_start3A_174 = tpu.memref_slice %arg6[%reduce_sum3A_156, %dma_start3A_172, %dma_start3A_173] : memref<1990x32x1024xf32, #tpu.memory_space<hbm>> -> memref<1x32x1024xf32, #tpu.memory_space<hbm>>
          %dma_start3A_175 = tpu.memref_squeeze %dma_start3A_174 : memref<1x32x1024xf32, #tpu.memory_space<hbm>> -> memref<32x1024xf32, #tpu.memory_space<hbm>>
          %dma_start3A_176 = arith.constant 0 : i32
          %dma_start3A_177 = arith.constant 0 : i32
          %dma_start3A_178 = tpu.memref_slice %arg6[%reduce_sum3A_156, %dma_start3A_176, %dma_start3A_177] : memref<1990x32x1024xf32, #tpu.memory_space<hbm>> -> memref<1x32x1024xf32, #tpu.memory_space<hbm>>
          %dma_start3A_179 = tpu.memref_squeeze %dma_start3A_178 : memref<1x32x1024xf32, #tpu.memory_space<hbm>> -> memref<32x1024xf32, #tpu.memory_space<hbm>>
          %dma_start3A_180 = arith.constant 0 : i32
          %dma_start3A_181 = arith.constant 0 : i32
          %dma_start3A_182 = tpu.memref_slice %arg9[%dma_start3A_167, %dma_start3A_180, %dma_start3A_181] : memref<2x32x1024xf32, #tpu.memory_space<vmem>> -> memref<1x32x1024xf32, #tpu.memory_space<vmem>>
          %dma_start3A_183 = tpu.memref_squeeze %dma_start3A_182 : memref<1x32x1024xf32, #tpu.memory_space<vmem>> -> memref<32x1024xf32, #tpu.memory_space<vmem>>
          tpu.enqueue_dma source(%dma_start3A_183 : memref<32x1024xf32, #tpu.memory_space<vmem>>) target(%dma_start3A_179 : memref<32x1024xf32, #tpu.memory_space<hbm>>) target_semaphore(%arg11 : memref<!tpu.dma_semaphore, #tpu.memory_space<semaphore_mem>>)
        } else {
        }
      }
      %ge3A = arith.constant 1 : i32
      %ge3A_107 = arith.cmpi sge, %reduce_sum3A_66, %ge3A : i32
      %eq3A_108 = arith.constant 0 : i32
      %eq3A_109 = arith.cmpi eq, %select_n3A_55, %eq3A_108 : i32
      %and3A_110 = arith.andi %ge3A_107, %eq3A_109 : i1
      %convert_element_type3A_111 = arith.extui %and3A_110 : i1 to i32
      %cond3A_112 = arith.constant 0 : i32
      %cond3A_113 = arith.cmpi ne, %convert_element_type3A_111, %cond3A_112 : i32
      scf.if %cond3A_113 {
        %sub3A = arith.constant 1 : i32
        %sub3A_138 = arith.subi %reduce_sum3A_66, %sub3A : i32
        %dma_start3A_139 = arith.constant 0 : i32
        %dma_start3A_140 = arith.constant 0 : i32
        %dma_start3A_141 = arith.constant 0 : i32
        %dma_start3A_142 = tpu.memref_slice %arg9[%dma_start3A_139, %dma_start3A_140, %dma_start3A_141] : memref<2x32x1024xf32, #tpu.memory_space<vmem>> -> memref<1x32x1024xf32, #tpu.memory_space<vmem>>
        %dma_start3A_143 = tpu.memref_squeeze %dma_start3A_142 : memref<1x32x1024xf32, #tpu.memory_space<vmem>> -> memref<32x1024xf32, #tpu.memory_space<vmem>>
        %dma_start3A_144 = arith.constant 0 : i32
        %dma_start3A_145 = arith.constant 0 : i32
        %dma_start3A_146 = tpu.memref_slice %arg5[%sub3A_138, %dma_start3A_144, %dma_start3A_145] : memref<199x32x1024xf32, #tpu.memory_space<hbm>> -> memref<1x32x1024xf32, #tpu.memory_space<hbm>>
        %dma_start3A_147 = tpu.memref_squeeze %dma_start3A_146 : memref<1x32x1024xf32, #tpu.memory_space<hbm>> -> memref<32x1024xf32, #tpu.memory_space<hbm>>
        %dma_start3A_148 = arith.constant 0 : i32
        %dma_start3A_149 = arith.constant 0 : i32
        %dma_start3A_150 = tpu.memref_slice %arg5[%sub3A_138, %dma_start3A_148, %dma_start3A_149] : memref<199x32x1024xf32, #tpu.memory_space<hbm>> -> memref<1x32x1024xf32, #tpu.memory_space<hbm>>
        %dma_start3A_151 = tpu.memref_squeeze %dma_start3A_150 : memref<1x32x1024xf32, #tpu.memory_space<hbm>> -> memref<32x1024xf32, #tpu.memory_space<hbm>>
        %dma_start3A_152 = arith.constant 0 : i32
        %dma_start3A_153 = arith.constant 0 : i32
        %dma_start3A_154 = tpu.memref_slice %arg9[%dma_start3A_139, %dma_start3A_152, %dma_start3A_153] : memref<2x32x1024xf32, #tpu.memory_space<vmem>> -> memref<1x32x1024xf32, #tpu.memory_space<vmem>>
        %dma_start3A_155 = tpu.memref_squeeze %dma_start3A_154 : memref<1x32x1024xf32, #tpu.memory_space<vmem>> -> memref<32x1024xf32, #tpu.memory_space<vmem>>
        tpu.enqueue_dma source(%dma_start3A_155 : memref<32x1024xf32, #tpu.memory_space<vmem>>) target(%dma_start3A_151 : memref<32x1024xf32, #tpu.memory_space<hbm>>) target_semaphore(%arg11 : memref<!tpu.dma_semaphore, #tpu.memory_space<semaphore_mem>>)
      } else {
      }
      %ge3A_114 = arith.constant 1 : i32
      %ge3A_115 = arith.cmpi sge, %reduce_sum3A_66, %ge3A_114 : i32
      %eq3A_116 = arith.constant 1 : i32
      %eq3A_117 = arith.cmpi eq, %select_n3A_55, %eq3A_116 : i32
      %and3A_118 = arith.andi %ge3A_115, %eq3A_117 : i1
      %convert_element_type3A_119 = arith.extui %and3A_118 : i1 to i32
      %cond3A_120 = arith.constant 0 : i32
      %cond3A_121 = arith.cmpi ne, %convert_element_type3A_119, %cond3A_120 : i32
      scf.if %cond3A_121 {
        %sub3A = arith.constant 1 : i32
        %sub3A_138 = arith.subi %reduce_sum3A_66, %sub3A : i32
        %dma_start3A_139 = arith.constant 1 : i32
        %dma_start3A_140 = arith.constant 0 : i32
        %dma_start3A_141 = arith.constant 0 : i32
        %dma_start3A_142 = tpu.memref_slice %arg9[%dma_start3A_139, %dma_start3A_140, %dma_start3A_141] : memref<2x32x1024xf32, #tpu.memory_space<vmem>> -> memref<1x32x1024xf32, #tpu.memory_space<vmem>>
        %dma_start3A_143 = tpu.memref_squeeze %dma_start3A_142 : memref<1x32x1024xf32, #tpu.memory_space<vmem>> -> memref<32x1024xf32, #tpu.memory_space<vmem>>
        %dma_start3A_144 = arith.constant 0 : i32
        %dma_start3A_145 = arith.constant 0 : i32
        %dma_start3A_146 = tpu.memref_slice %arg5[%sub3A_138, %dma_start3A_144, %dma_start3A_145] : memref<199x32x1024xf32, #tpu.memory_space<hbm>> -> memref<1x32x1024xf32, #tpu.memory_space<hbm>>
        %dma_start3A_147 = tpu.memref_squeeze %dma_start3A_146 : memref<1x32x1024xf32, #tpu.memory_space<hbm>> -> memref<32x1024xf32, #tpu.memory_space<hbm>>
        %dma_start3A_148 = arith.constant 0 : i32
        %dma_start3A_149 = arith.constant 0 : i32
        %dma_start3A_150 = tpu.memref_slice %arg5[%sub3A_138, %dma_start3A_148, %dma_start3A_149] : memref<199x32x1024xf32, #tpu.memory_space<hbm>> -> memref<1x32x1024xf32, #tpu.memory_space<hbm>>
        %dma_start3A_151 = tpu.memref_squeeze %dma_start3A_150 : memref<1x32x1024xf32, #tpu.memory_space<hbm>> -> memref<32x1024xf32, #tpu.memory_space<hbm>>
        %dma_start3A_152 = arith.constant 0 : i32
        %dma_start3A_153 = arith.constant 0 : i32
        %dma_start3A_154 = tpu.memref_slice %arg9[%dma_start3A_139, %dma_start3A_152, %dma_start3A_153] : memref<2x32x1024xf32, #tpu.memory_space<vmem>> -> memref<1x32x1024xf32, #tpu.memory_space<vmem>>
        %dma_start3A_155 = tpu.memref_squeeze %dma_start3A_154 : memref<1x32x1024xf32, #tpu.memory_space<vmem>> -> memref<32x1024xf32, #tpu.memory_space<vmem>>
        tpu.enqueue_dma source(%dma_start3A_155 : memref<32x1024xf32, #tpu.memory_space<vmem>>) target(%dma_start3A_151 : memref<32x1024xf32, #tpu.memory_space<hbm>>) target_semaphore(%arg11 : memref<!tpu.dma_semaphore, #tpu.memory_space<semaphore_mem>>)
      } else {
      }
      %ge3A_122 = arith.constant 1 : i32
      %ge3A_123 = arith.cmpi sge, %reduce_sum3A_66, %ge3A_122 : i32
      %jit3A_124 = arith.constant 1 : i32
      %jit3A_125 = arith.constant 0 : i32
      %select_n3A_126 = arith.select %ge3A_123, %jit3A_124, %jit3A_125 : i32
      %add3A_127 = arith.addi %reduce_sum3A_82, %select_n3A_126 : i32
      %while3A_128 = arith.constant 0 : i32
      %while3A_129 = arith.constant 0 : i32
      %while3A_130 = arith.subi %add3A_127, %while3A_129 : i32
      %while3A_131 = arith.addi %while3A_129, %while3A_130 : i32
      %while3A_132 = arith.constant 1 : i32
      %while3A_133 = arith.divsi %while3A_130, %while3A_132 : i32
      %while3A_134 = arith.muli %while3A_133, %while3A_132 : i32
      %while3A_135 = arith.addi %while3A_129, %while3A_134 : i32
      %while3A_136 = arith.constant 1 : i32
      scf.for %while3A_138 = %while3A_129 to %while3A_135 step %while3A_136  : i32 {
        %dma_wait3A = arith.constant 0 : i32
        %dma_wait3A_139 = arith.constant 0 : i32
        %dma_wait3A_140 = arith.constant 0 : i32
        %dma_wait3A_141 = arith.constant 0 : i32
        %dma_wait3A_142 = tpu.memref_slice %arg9[%dma_wait3A, %dma_wait3A_140, %dma_wait3A_141] : memref<2x32x1024xf32, #tpu.memory_space<vmem>> -> memref<1x32x1024xf32, #tpu.memory_space<vmem>>
        %dma_wait3A_143 = tpu.memref_squeeze %dma_wait3A_142 : memref<1x32x1024xf32, #tpu.memory_space<vmem>> -> memref<32x1024xf32, #tpu.memory_space<vmem>>
        %dma_wait3A_144 = arith.constant 0 : i32
        %dma_wait3A_145 = arith.constant 0 : i32
        %dma_wait3A_146 = tpu.memref_slice %arg6[%dma_wait3A_139, %dma_wait3A_144, %dma_wait3A_145] : memref<1990x32x1024xf32, #tpu.memory_space<hbm>> -> memref<1x32x1024xf32, #tpu.memory_space<hbm>>
        %dma_wait3A_147 = tpu.memref_squeeze %dma_wait3A_146 : memref<1x32x1024xf32, #tpu.memory_space<hbm>> -> memref<32x1024xf32, #tpu.memory_space<hbm>>
        %dma_wait3A_148 = arith.constant 0 : i32
        %dma_wait3A_149 = arith.constant 0 : i32
        %dma_wait3A_150 = tpu.memref_slice %arg6[%dma_wait3A_139, %dma_wait3A_148, %dma_wait3A_149] : memref<1990x32x1024xf32, #tpu.memory_space<hbm>> -> memref<1x32x1024xf32, #tpu.memory_space<hbm>>
        %dma_wait3A_151 = tpu.memref_squeeze %dma_wait3A_150 : memref<1x32x1024xf32, #tpu.memory_space<hbm>> -> memref<32x1024xf32, #tpu.memory_space<hbm>>
        %dma_wait3A_152 = arith.constant 0 : i32
        %dma_wait3A_153 = arith.constant 0 : i32
        %dma_wait3A_154 = tpu.memref_slice %arg9[%dma_wait3A, %dma_wait3A_152, %dma_wait3A_153] : memref<2x32x1024xf32, #tpu.memory_space<vmem>> -> memref<1x32x1024xf32, #tpu.memory_space<vmem>>
        %dma_wait3A_155 = tpu.memref_squeeze %dma_wait3A_154 : memref<1x32x1024xf32, #tpu.memory_space<vmem>> -> memref<32x1024xf32, #tpu.memory_space<vmem>>
        tpu.wait_dma2 semaphore(%arg11 : memref<!tpu.dma_semaphore, #tpu.memory_space<semaphore_mem>>) src(%dma_wait3A_155 : memref<32x1024xf32, #tpu.memory_space<vmem>>) dst(%dma_wait3A_151 : memref<32x1024xf32, #tpu.memory_space<hbm>>)
      }
      %while3A_137 = arith.constant 1 : i32
      scf.for %while3A_138 = %while3A_135 to %while3A_131 step %while3A_137  : i32 {
        %dma_wait3A = arith.constant 0 : i32
        %dma_wait3A_139 = arith.constant 0 : i32
        %dma_wait3A_140 = arith.constant 0 : i32
        %dma_wait3A_141 = arith.constant 0 : i32
        %dma_wait3A_142 = tpu.memref_slice %arg9[%dma_wait3A, %dma_wait3A_140, %dma_wait3A_141] : memref<2x32x1024xf32, #tpu.memory_space<vmem>> -> memref<1x32x1024xf32, #tpu.memory_space<vmem>>
        %dma_wait3A_143 = tpu.memref_squeeze %dma_wait3A_142 : memref<1x32x1024xf32, #tpu.memory_space<vmem>> -> memref<32x1024xf32, #tpu.memory_space<vmem>>
        %dma_wait3A_144 = arith.constant 0 : i32
        %dma_wait3A_145 = arith.constant 0 : i32
        %dma_wait3A_146 = tpu.memref_slice %arg6[%dma_wait3A_139, %dma_wait3A_144, %dma_wait3A_145] : memref<1990x32x1024xf32, #tpu.memory_space<hbm>> -> memref<1x32x1024xf32, #tpu.memory_space<hbm>>
        %dma_wait3A_147 = tpu.memref_squeeze %dma_wait3A_146 : memref<1x32x1024xf32, #tpu.memory_space<hbm>> -> memref<32x1024xf32, #tpu.memory_space<hbm>>
        %dma_wait3A_148 = arith.constant 0 : i32
        %dma_wait3A_149 = arith.constant 0 : i32
        %dma_wait3A_150 = tpu.memref_slice %arg6[%dma_wait3A_139, %dma_wait3A_148, %dma_wait3A_149] : memref<1990x32x1024xf32, #tpu.memory_space<hbm>> -> memref<1x32x1024xf32, #tpu.memory_space<hbm>>
        %dma_wait3A_151 = tpu.memref_squeeze %dma_wait3A_150 : memref<1x32x1024xf32, #tpu.memory_space<hbm>> -> memref<32x1024xf32, #tpu.memory_space<hbm>>
        %dma_wait3A_152 = arith.constant 0 : i32
        %dma_wait3A_153 = arith.constant 0 : i32
        %dma_wait3A_154 = tpu.memref_slice %arg9[%dma_wait3A, %dma_wait3A_152, %dma_wait3A_153] : memref<2x32x1024xf32, #tpu.memory_space<vmem>> -> memref<1x32x1024xf32, #tpu.memory_space<vmem>>
        %dma_wait3A_155 = tpu.memref_squeeze %dma_wait3A_154 : memref<1x32x1024xf32, #tpu.memory_space<vmem>> -> memref<32x1024xf32, #tpu.memory_space<vmem>>
        tpu.wait_dma2 semaphore(%arg11 : memref<!tpu.dma_semaphore, #tpu.memory_space<semaphore_mem>>) src(%dma_wait3A_155 : memref<32x1024xf32, #tpu.memory_space<vmem>>) dst(%dma_wait3A_151 : memref<32x1024xf32, #tpu.memory_space<hbm>>)
      }
    }
    %while3A_42 = arith.constant 1 : i32
    scf.for %while3A_43 = %while3A_40 to %while3A_36 step %while3A_42  : i32 {
      %jit3A_44 = arith.constant 2 : i32
      %eq3A_45 = arith.constant 0 : i32
      %eq3A_46 = arith.cmpi eq, %jit3A_44, %eq3A_45 : i32
      %jit3A_47 = arith.constant 1 : i32
      %select_n3A_48 = arith.select %eq3A_46, %jit3A_47, %jit3A_44 : i32
      %rem3A = arith.remsi %while3A_43, %select_n3A_48 : i32
      %ne3A = arith.constant 0 : i32
      %ne3A_49 = arith.cmpi ne, %rem3A, %ne3A : i32
      %lt3A = arith.constant 0 : i32
      %lt3A_50 = arith.cmpi slt, %rem3A, %lt3A : i32
      %lt3A_51 = arith.constant 0 : i32
      %lt3A_52 = arith.cmpi slt, %select_n3A_48, %lt3A_51 : i32
      %ne3A_53 = arith.xori %lt3A_50, %lt3A_52 : i1
      %and3A = arith.andi %ne3A_53, %ne3A_49 : i1
      %add3A_54 = arith.addi %rem3A, %select_n3A_48 : i32
      %select_n3A_55 = arith.select %and3A, %add3A_54, %rem3A : i32
      %add3A_56 = arith.constant 1 : i32
      %add3A_57 = arith.addi %while3A_43, %add3A_56 : i32
      %eq3A_58 = vector.broadcast %add3A_57 : i32 to vector<16xi32>
      %eq3A_59 = arith.cmpi eq, %iota3A, %eq3A_58 : vector<16xi32>
      %jit3A_60 = arith.constant 0 : i32
      %broadcast_in_dim3A_61 = vector.broadcast %jit3A_60 : i32 to vector<16xi32>
      %select_n3A_62 = arith.select %eq3A_59, %get3A_2, %broadcast_in_dim3A_61 : vector<16xi1>, vector<16xi32>
      %reduce_sum3A_63 = arith.constant true
      %reduce_sum3A_64 = vector.broadcast %reduce_sum3A_63 : i1 to vector<16xi1>
      %reduce_sum3A_65 = tpu.scan <sum>, %select_n3A_62 masked %reduce_sum3A_64 : vector<16xi32>, vector<16xi1> -> vector<16xi32>
      %reduce_sum3A_66 = vector.extract %reduce_sum3A_65[15] : i32 from vector<16xi32>
      %get3A_67 = arith.index_cast %reduce_sum3A_66 : i32 to index
      %get3A_68 = arith.constant 0 : index
      %get3A_69 = tpu.vector_load %arg7[%get3A_67, %get3A_68] {strides = array<i32>} : memref<200x32xi32, #tpu.memory_space<vmem>>, vector<16xi32>,
      %get3A_70 = arith.index_cast %reduce_sum3A_66 : i32 to index
      %get3A_71 = arith.constant 16 : index
      %get3A_72 = tpu.vector_load %arg7[%get3A_70, %get3A_71] {strides = array<i32>} : memref<200x32xi32, #tpu.memory_space<vmem>>, vector<16xi32>,
      %eq3A_73 = arith.constant 0 : i32
      %eq3A_74 = vector.broadcast %eq3A_73 : i32 to vector<16xi32>
      %eq3A_75 = arith.cmpi eq, %iota3A, %eq3A_74 : vector<16xi32>
      %jit3A_76 = arith.constant 0 : i32
      %broadcast_in_dim3A_77 = vector.broadcast %jit3A_76 : i32 to vector<16xi32>
      %select_n3A_78 = arith.select %eq3A_75, %get3A_69, %broadcast_in_dim3A_77 : vector<16xi1>, vector<16xi32>
      %reduce_sum3A_79 = arith.constant true
      %reduce_sum3A_80 = vector.broadcast %reduce_sum3A_79 : i1 to vector<16xi1>
      %reduce_sum3A_81 = tpu.scan <sum>, %select_n3A_78 masked %reduce_sum3A_80 : vector<16xi32>, vector<16xi1> -> vector<16xi32>
      %reduce_sum3A_82 = vector.extract %reduce_sum3A_81[15] : i32 from vector<16xi32>
      %eq3A_83 = arith.constant 0 : i32
      %eq3A_84 = arith.cmpi eq, %select_n3A_55, %eq3A_83 : i32
      %convert_element_type3A = arith.extui %eq3A_84 : i1 to i32
      %cond3A = arith.constant 0 : i32
      %cond3A_85 = arith.cmpi ne, %convert_element_type3A, %cond3A : i32
      scf.if %cond3A_85 {
        %dma_wait3A = arith.constant 0 : i32
        %dma_wait3A_138 = arith.constant 0 : i32
        %dma_wait3A_139 = arith.constant 0 : i32
        %dma_wait3A_140 = tpu.memref_slice %arg9[%dma_wait3A, %dma_wait3A_138, %dma_wait3A_139] : memref<2x32x1024xf32, #tpu.memory_space<vmem>> -> memref<1x32x1024xf32, #tpu.memory_space<vmem>>
        %dma_wait3A_141 = tpu.memref_squeeze %dma_wait3A_140 : memref<1x32x1024xf32, #tpu.memory_space<vmem>> -> memref<32x1024xf32, #tpu.memory_space<vmem>>
        %dma_wait3A_142 = arith.constant 0 : i32
        %dma_wait3A_143 = arith.constant 0 : i32
        %dma_wait3A_144 = tpu.memref_slice %arg2[%reduce_sum3A_66, %dma_wait3A_142, %dma_wait3A_143] : memref<200x32x1024xf32, #tpu.memory_space<hbm>> -> memref<1x32x1024xf32, #tpu.memory_space<hbm>>
        %dma_wait3A_145 = tpu.memref_squeeze %dma_wait3A_144 : memref<1x32x1024xf32, #tpu.memory_space<hbm>> -> memref<32x1024xf32, #tpu.memory_space<hbm>>
        %dma_wait3A_146 = arith.constant 0 : i32
        %dma_wait3A_147 = arith.constant 0 : i32
        %dma_wait3A_148 = tpu.memref_slice %arg9[%dma_wait3A, %dma_wait3A_146, %dma_wait3A_147] : memref<2x32x1024xf32, #tpu.memory_space<vmem>> -> memref<1x32x1024xf32, #tpu.memory_space<vmem>>
        %dma_wait3A_149 = tpu.memref_squeeze %dma_wait3A_148 : memref<1x32x1024xf32, #tpu.memory_space<vmem>> -> memref<32x1024xf32, #tpu.memory_space<vmem>>
        %dma_wait3A_150 = arith.constant 0 : i32
        %dma_wait3A_151 = arith.constant 0 : i32
        %dma_wait3A_152 = tpu.memref_slice %arg2[%reduce_sum3A_66, %dma_wait3A_150, %dma_wait3A_151] : memref<200x32x1024xf32, #tpu.memory_space<hbm>> -> memref<1x32x1024xf32, #tpu.memory_space<hbm>>
        %dma_wait3A_153 = tpu.memref_squeeze %dma_wait3A_152 : memref<1x32x1024xf32, #tpu.memory_space<hbm>> -> memref<32x1024xf32, #tpu.memory_space<hbm>>
        tpu.wait_dma2 semaphore(%arg10 : memref<!tpu.dma_semaphore, #tpu.memory_space<semaphore_mem>>) src(%dma_wait3A_153 : memref<32x1024xf32, #tpu.memory_space<hbm>>) dst(%dma_wait3A_149 : memref<32x1024xf32, #tpu.memory_space<vmem>>)
      } else {
      }
      %eq3A_86 = arith.constant 1 : i32
      %eq3A_87 = arith.cmpi eq, %select_n3A_55, %eq3A_86 : i32
      %convert_element_type3A_88 = arith.extui %eq3A_87 : i1 to i32
      %cond3A_89 = arith.constant 0 : i32
      %cond3A_90 = arith.cmpi ne, %convert_element_type3A_88, %cond3A_89 : i32
      scf.if %cond3A_90 {
        %dma_wait3A = arith.constant 1 : i32
        %dma_wait3A_138 = arith.constant 0 : i32
        %dma_wait3A_139 = arith.constant 0 : i32
        %dma_wait3A_140 = tpu.memref_slice %arg9[%dma_wait3A, %dma_wait3A_138, %dma_wait3A_139] : memref<2x32x1024xf32, #tpu.memory_space<vmem>> -> memref<1x32x1024xf32, #tpu.memory_space<vmem>>
        %dma_wait3A_141 = tpu.memref_squeeze %dma_wait3A_140 : memref<1x32x1024xf32, #tpu.memory_space<vmem>> -> memref<32x1024xf32, #tpu.memory_space<vmem>>
        %dma_wait3A_142 = arith.constant 0 : i32
        %dma_wait3A_143 = arith.constant 0 : i32
        %dma_wait3A_144 = tpu.memref_slice %arg2[%reduce_sum3A_66, %dma_wait3A_142, %dma_wait3A_143] : memref<200x32x1024xf32, #tpu.memory_space<hbm>> -> memref<1x32x1024xf32, #tpu.memory_space<hbm>>
        %dma_wait3A_145 = tpu.memref_squeeze %dma_wait3A_144 : memref<1x32x1024xf32, #tpu.memory_space<hbm>> -> memref<32x1024xf32, #tpu.memory_space<hbm>>
        %dma_wait3A_146 = arith.constant 0 : i32
        %dma_wait3A_147 = arith.constant 0 : i32
        %dma_wait3A_148 = tpu.memref_slice %arg9[%dma_wait3A, %dma_wait3A_146, %dma_wait3A_147] : memref<2x32x1024xf32, #tpu.memory_space<vmem>> -> memref<1x32x1024xf32, #tpu.memory_space<vmem>>
        %dma_wait3A_149 = tpu.memref_squeeze %dma_wait3A_148 : memref<1x32x1024xf32, #tpu.memory_space<vmem>> -> memref<32x1024xf32, #tpu.memory_space<vmem>>
        %dma_wait3A_150 = arith.constant 0 : i32
        %dma_wait3A_151 = arith.constant 0 : i32
        %dma_wait3A_152 = tpu.memref_slice %arg2[%reduce_sum3A_66, %dma_wait3A_150, %dma_wait3A_151] : memref<200x32x1024xf32, #tpu.memory_space<hbm>> -> memref<1x32x1024xf32, #tpu.memory_space<hbm>>
        %dma_wait3A_153 = tpu.memref_squeeze %dma_wait3A_152 : memref<1x32x1024xf32, #tpu.memory_space<hbm>> -> memref<32x1024xf32, #tpu.memory_space<hbm>>
        tpu.wait_dma2 semaphore(%arg10 : memref<!tpu.dma_semaphore, #tpu.memory_space<semaphore_mem>>) src(%dma_wait3A_153 : memref<32x1024xf32, #tpu.memory_space<hbm>>) dst(%dma_wait3A_149 : memref<32x1024xf32, #tpu.memory_space<vmem>>)
      } else {
      }
      %add3A_91 = arith.constant 1 : i32
      %add3A_92 = arith.addi %while3A_43, %add3A_91 : i32
      %lt3A_93 = arith.cmpi slt, %add3A_92, %reduce_sum3A_7 : i32
      %convert_element_type3A_94 = arith.extui %lt3A_93 : i1 to i32
      %cond3A_95 = arith.constant 0 : i32
      %cond3A_96 = arith.cmpi ne, %convert_element_type3A_94, %cond3A_95 : i32
      scf.if %cond3A_96 {
        %add3A_138 = arith.constant 2 : i32
        %add3A_139 = arith.addi %while3A_43, %add3A_138 : i32
        %eq3A_140 = vector.broadcast %add3A_139 : i32 to vector<16xi32>
        %eq3A_141 = arith.cmpi eq, %iota3A, %eq3A_140 : vector<16xi32>
        %jit3A_142 = arith.constant 0 : i32
        %broadcast_in_dim3A_143 = vector.broadcast %jit3A_142 : i32 to vector<16xi32>
        %select_n3A_144 = arith.select %eq3A_141, %get3A_2, %broadcast_in_dim3A_143 : vector<16xi1>, vector<16xi32>
        %reduce_sum3A_145 = arith.constant true
        %reduce_sum3A_146 = vector.broadcast %reduce_sum3A_145 : i1 to vector<16xi1>
        %reduce_sum3A_147 = tpu.scan <sum>, %select_n3A_144 masked %reduce_sum3A_146 : vector<16xi32>, vector<16xi1> -> vector<16xi32>
        %reduce_sum3A_148 = vector.extract %reduce_sum3A_147[15] : i32 from vector<16xi32>
        %eq3A_149 = arith.constant 0 : i32
        %eq3A_150 = arith.cmpi eq, %select_n3A_55, %eq3A_149 : i32
        %convert_element_type3A_151 = arith.extui %eq3A_150 : i1 to i32
        %cond3A_152 = arith.constant 0 : i32
        %cond3A_153 = arith.cmpi ne, %convert_element_type3A_151, %cond3A_152 : i32
        scf.if %cond3A_153 {
          %dma_start3A_159 = arith.constant 1 : i32
          %dma_start3A_160 = arith.constant 0 : i32
          %dma_start3A_161 = arith.constant 0 : i32
          %dma_start3A_162 = tpu.memref_slice %arg9[%dma_start3A_159, %dma_start3A_160, %dma_start3A_161] : memref<2x32x1024xf32, #tpu.memory_space<vmem>> -> memref<1x32x1024xf32, #tpu.memory_space<vmem>>
          %dma_start3A_163 = tpu.memref_squeeze %dma_start3A_162 : memref<1x32x1024xf32, #tpu.memory_space<vmem>> -> memref<32x1024xf32, #tpu.memory_space<vmem>>
          %dma_start3A_164 = arith.constant 0 : i32
          %dma_start3A_165 = arith.constant 0 : i32
          %dma_start3A_166 = tpu.memref_slice %arg2[%reduce_sum3A_148, %dma_start3A_164, %dma_start3A_165] : memref<200x32x1024xf32, #tpu.memory_space<hbm>> -> memref<1x32x1024xf32, #tpu.memory_space<hbm>>
          %dma_start3A_167 = tpu.memref_squeeze %dma_start3A_166 : memref<1x32x1024xf32, #tpu.memory_space<hbm>> -> memref<32x1024xf32, #tpu.memory_space<hbm>>
          %dma_start3A_168 = arith.constant 0 : i32
          %dma_start3A_169 = arith.constant 0 : i32
          %dma_start3A_170 = tpu.memref_slice %arg9[%dma_start3A_159, %dma_start3A_168, %dma_start3A_169] : memref<2x32x1024xf32, #tpu.memory_space<vmem>> -> memref<1x32x1024xf32, #tpu.memory_space<vmem>>
          %dma_start3A_171 = tpu.memref_squeeze %dma_start3A_170 : memref<1x32x1024xf32, #tpu.memory_space<vmem>> -> memref<32x1024xf32, #tpu.memory_space<vmem>>
          %dma_start3A_172 = arith.constant 0 : i32
          %dma_start3A_173 = arith.constant 0 : i32
          %dma_start3A_174 = tpu.memref_slice %arg2[%reduce_sum3A_148, %dma_start3A_172, %dma_start3A_173] : memref<200x32x1024xf32, #tpu.memory_space<hbm>> -> memref<1x32x1024xf32, #tpu.memory_space<hbm>>
          %dma_start3A_175 = tpu.memref_squeeze %dma_start3A_174 : memref<1x32x1024xf32, #tpu.memory_space<hbm>> -> memref<32x1024xf32, #tpu.memory_space<hbm>>
          tpu.enqueue_dma source(%dma_start3A_175 : memref<32x1024xf32, #tpu.memory_space<hbm>>) target(%dma_start3A_171 : memref<32x1024xf32, #tpu.memory_space<vmem>>) target_semaphore(%arg10 : memref<!tpu.dma_semaphore, #tpu.memory_space<semaphore_mem>>)
        } else {
        }
        %eq3A_154 = arith.constant 1 : i32
        %eq3A_155 = arith.cmpi eq, %select_n3A_55, %eq3A_154 : i32
        %convert_element_type3A_156 = arith.extui %eq3A_155 : i1 to i32
        %cond3A_157 = arith.constant 0 : i32
        %cond3A_158 = arith.cmpi ne, %convert_element_type3A_156, %cond3A_157 : i32
        scf.if %cond3A_158 {
          %dma_start3A_159 = arith.constant 0 : i32
          %dma_start3A_160 = arith.constant 0 : i32
          %dma_start3A_161 = arith.constant 0 : i32
          %dma_start3A_162 = tpu.memref_slice %arg9[%dma_start3A_159, %dma_start3A_160, %dma_start3A_161] : memref<2x32x1024xf32, #tpu.memory_space<vmem>> -> memref<1x32x1024xf32, #tpu.memory_space<vmem>>
          %dma_start3A_163 = tpu.memref_squeeze %dma_start3A_162 : memref<1x32x1024xf32, #tpu.memory_space<vmem>> -> memref<32x1024xf32, #tpu.memory_space<vmem>>
          %dma_start3A_164 = arith.constant 0 : i32
          %dma_start3A_165 = arith.constant 0 : i32
          %dma_start3A_166 = tpu.memref_slice %arg2[%reduce_sum3A_148, %dma_start3A_164, %dma_start3A_165] : memref<200x32x1024xf32, #tpu.memory_space<hbm>> -> memref<1x32x1024xf32, #tpu.memory_space<hbm>>
          %dma_start3A_167 = tpu.memref_squeeze %dma_start3A_166 : memref<1x32x1024xf32, #tpu.memory_space<hbm>> -> memref<32x1024xf32, #tpu.memory_space<hbm>>
          %dma_start3A_168 = arith.constant 0 : i32
          %dma_start3A_169 = arith.constant 0 : i32
          %dma_start3A_170 = tpu.memref_slice %arg9[%dma_start3A_159, %dma_start3A_168, %dma_start3A_169] : memref<2x32x1024xf32, #tpu.memory_space<vmem>> -> memref<1x32x1024xf32, #tpu.memory_space<vmem>>
          %dma_start3A_171 = tpu.memref_squeeze %dma_start3A_170 : memref<1x32x1024xf32, #tpu.memory_space<vmem>> -> memref<32x1024xf32, #tpu.memory_space<vmem>>
          %dma_start3A_172 = arith.constant 0 : i32
          %dma_start3A_173 = arith.constant 0 : i32
          %dma_start3A_174 = tpu.memref_slice %arg2[%reduce_sum3A_148, %dma_start3A_172, %dma_start3A_173] : memref<200x32x1024xf32, #tpu.memory_space<hbm>> -> memref<1x32x1024xf32, #tpu.memory_space<hbm>>
          %dma_start3A_175 = tpu.memref_squeeze %dma_start3A_174 : memref<1x32x1024xf32, #tpu.memory_space<hbm>> -> memref<32x1024xf32, #tpu.memory_space<hbm>>
          tpu.enqueue_dma source(%dma_start3A_175 : memref<32x1024xf32, #tpu.memory_space<hbm>>) target(%dma_start3A_171 : memref<32x1024xf32, #tpu.memory_space<vmem>>) target_semaphore(%arg10 : memref<!tpu.dma_semaphore, #tpu.memory_space<semaphore_mem>>)
        } else {
        }
      } else {
      }
      %while3A_97 = arith.constant 0 : i32
      %while3A_98 = arith.constant 0 : i32
      %while3A_99 = arith.subi %reduce_sum3A_82, %while3A_98 : i32
      %while3A_100 = arith.addi %while3A_98, %while3A_99 : i32
      %while3A_101 = arith.constant 1 : i32
      %while3A_102 = arith.divsi %while3A_99, %while3A_101 : i32
      %while3A_103 = arith.muli %while3A_102, %while3A_101 : i32
      %while3A_104 = arith.addi %while3A_98, %while3A_103 : i32
      %while3A_105 = arith.constant 1 : i32
      scf.for %while3A_138 = %while3A_98 to %while3A_104 step %while3A_105  : i32 {
        %add3A_139 = arith.constant 1 : i32
        %add3A_140 = arith.addi %while3A_138, %add3A_139 : i32
        %lt3A_141 = arith.constant 16 : i32
        %lt3A_142 = arith.cmpi slt, %add3A_140, %lt3A_141 : i32
        %select_n3A_143 = arith.select %lt3A_142, %get3A_69, %get3A_72 : vector<16xi32>
        %lt3A_144 = arith.constant 16 : i32
        %lt3A_145 = arith.cmpi slt, %add3A_140, %lt3A_144 : i32
        %sub3A = arith.constant 16 : i32
        %sub3A_146 = arith.subi %add3A_140, %sub3A : i32
        %select_n3A_147 = arith.select %lt3A_145, %add3A_140, %sub3A_146 : i32
        %eq3A_148 = vector.broadcast %select_n3A_147 : i32 to vector<16xi32>
        %eq3A_149 = arith.cmpi eq, %iota3A, %eq3A_148 : vector<16xi32>
        %jit3A_150 = arith.constant 0 : i32
        %broadcast_in_dim3A_151 = vector.broadcast %jit3A_150 : i32 to vector<16xi32>
        %select_n3A_152 = arith.select %eq3A_149, %select_n3A_143, %broadcast_in_dim3A_151 : vector<16xi1>, vector<16xi32>
        %reduce_sum3A_153 = arith.constant true
        %reduce_sum3A_154 = vector.broadcast %reduce_sum3A_153 : i1 to vector<16xi1>
        %reduce_sum3A_155 = tpu.scan <sum>, %select_n3A_152 masked %reduce_sum3A_154 : vector<16xi32>, vector<16xi1> -> vector<16xi32>
        %reduce_sum3A_156 = vector.extract %reduce_sum3A_155[15] : i32 from vector<16xi32>
        %eq3A_157 = arith.constant 0 : i32
        %eq3A_158 = arith.cmpi eq, %select_n3A_55, %eq3A_157 : i32
        %convert_element_type3A_159 = arith.extui %eq3A_158 : i1 to i32
        %cond3A_160 = arith.constant 0 : i32
        %cond3A_161 = arith.cmpi ne, %convert_element_type3A_159, %cond3A_160 : i32
        scf.if %cond3A_161 {
          %dma_start3A_167 = arith.constant 0 : i32
          %dma_start3A_168 = arith.constant 0 : i32
          %dma_start3A_169 = arith.constant 0 : i32
          %dma_start3A_170 = tpu.memref_slice %arg9[%dma_start3A_167, %dma_start3A_168, %dma_start3A_169] : memref<2x32x1024xf32, #tpu.memory_space<vmem>> -> memref<1x32x1024xf32, #tpu.memory_space<vmem>>
          %dma_start3A_171 = tpu.memref_squeeze %dma_start3A_170 : memref<1x32x1024xf32, #tpu.memory_space<vmem>> -> memref<32x1024xf32, #tpu.memory_space<vmem>>
          %dma_start3A_172 = arith.constant 0 : i32
          %dma_start3A_173 = arith.constant 0 : i32
          %dma_start3A_174 = tpu.memref_slice %arg6[%reduce_sum3A_156, %dma_start3A_172, %dma_start3A_173] : memref<1990x32x1024xf32, #tpu.memory_space<hbm>> -> memref<1x32x1024xf32, #tpu.memory_space<hbm>>
          %dma_start3A_175 = tpu.memref_squeeze %dma_start3A_174 : memref<1x32x1024xf32, #tpu.memory_space<hbm>> -> memref<32x1024xf32, #tpu.memory_space<hbm>>
          %dma_start3A_176 = arith.constant 0 : i32
          %dma_start3A_177 = arith.constant 0 : i32
          %dma_start3A_178 = tpu.memref_slice %arg6[%reduce_sum3A_156, %dma_start3A_176, %dma_start3A_177] : memref<1990x32x1024xf32, #tpu.memory_space<hbm>> -> memref<1x32x1024xf32, #tpu.memory_space<hbm>>
          %dma_start3A_179 = tpu.memref_squeeze %dma_start3A_178 : memref<1x32x1024xf32, #tpu.memory_space<hbm>> -> memref<32x1024xf32, #tpu.memory_space<hbm>>
          %dma_start3A_180 = arith.constant 0 : i32
          %dma_start3A_181 = arith.constant 0 : i32
          %dma_start3A_182 = tpu.memref_slice %arg9[%dma_start3A_167, %dma_start3A_180, %dma_start3A_181] : memref<2x32x1024xf32, #tpu.memory_space<vmem>> -> memref<1x32x1024xf32, #tpu.memory_space<vmem>>
          %dma_start3A_183 = tpu.memref_squeeze %dma_start3A_182 : memref<1x32x1024xf32, #tpu.memory_space<vmem>> -> memref<32x1024xf32, #tpu.memory_space<vmem>>
          tpu.enqueue_dma source(%dma_start3A_183 : memref<32x1024xf32, #tpu.memory_space<vmem>>) target(%dma_start3A_179 : memref<32x1024xf32, #tpu.memory_space<hbm>>) target_semaphore(%arg11 : memref<!tpu.dma_semaphore, #tpu.memory_space<semaphore_mem>>)
        } else {
        }
        %eq3A_162 = arith.constant 1 : i32
        %eq3A_163 = arith.cmpi eq, %select_n3A_55, %eq3A_162 : i32
        %convert_element_type3A_164 = arith.extui %eq3A_163 : i1 to i32
        %cond3A_165 = arith.constant 0 : i32
        %cond3A_166 = arith.cmpi ne, %convert_element_type3A_164, %cond3A_165 : i32
        scf.if %cond3A_166 {
          %dma_start3A_167 = arith.constant 1 : i32
          %dma_start3A_168 = arith.constant 0 : i32
          %dma_start3A_169 = arith.constant 0 : i32
          %dma_start3A_170 = tpu.memref_slice %arg9[%dma_start3A_167, %dma_start3A_168, %dma_start3A_169] : memref<2x32x1024xf32, #tpu.memory_space<vmem>> -> memref<1x32x1024xf32, #tpu.memory_space<vmem>>
          %dma_start3A_171 = tpu.memref_squeeze %dma_start3A_170 : memref<1x32x1024xf32, #tpu.memory_space<vmem>> -> memref<32x1024xf32, #tpu.memory_space<vmem>>
          %dma_start3A_172 = arith.constant 0 : i32
          %dma_start3A_173 = arith.constant 0 : i32
          %dma_start3A_174 = tpu.memref_slice %arg6[%reduce_sum3A_156, %dma_start3A_172, %dma_start3A_173] : memref<1990x32x1024xf32, #tpu.memory_space<hbm>> -> memref<1x32x1024xf32, #tpu.memory_space<hbm>>
          %dma_start3A_175 = tpu.memref_squeeze %dma_start3A_174 : memref<1x32x1024xf32, #tpu.memory_space<hbm>> -> memref<32x1024xf32, #tpu.memory_space<hbm>>
          %dma_start3A_176 = arith.constant 0 : i32
          %dma_start3A_177 = arith.constant 0 : i32
          %dma_start3A_178 = tpu.memref_slice %arg6[%reduce_sum3A_156, %dma_start3A_176, %dma_start3A_177] : memref<1990x32x1024xf32, #tpu.memory_space<hbm>> -> memref<1x32x1024xf32, #tpu.memory_space<hbm>>
          %dma_start3A_179 = tpu.memref_squeeze %dma_start3A_178 : memref<1x32x1024xf32, #tpu.memory_space<hbm>> -> memref<32x1024xf32, #tpu.memory_space<hbm>>
          %dma_start3A_180 = arith.constant 0 : i32
          %dma_start3A_181 = arith.constant 0 : i32
          %dma_start3A_182 = tpu.memref_slice %arg9[%dma_start3A_167, %dma_start3A_180, %dma_start3A_181] : memref<2x32x1024xf32, #tpu.memory_space<vmem>> -> memref<1x32x1024xf32, #tpu.memory_space<vmem>>
          %dma_start3A_183 = tpu.memref_squeeze %dma_start3A_182 : memref<1x32x1024xf32, #tpu.memory_space<vmem>> -> memref<32x1024xf32, #tpu.memory_space<vmem>>
          tpu.enqueue_dma source(%dma_start3A_183 : memref<32x1024xf32, #tpu.memory_space<vmem>>) target(%dma_start3A_179 : memref<32x1024xf32, #tpu.memory_space<hbm>>) target_semaphore(%arg11 : memref<!tpu.dma_semaphore, #tpu.memory_space<semaphore_mem>>)
        } else {
        }
      }
      %while3A_106 = arith.constant 1 : i32
      scf.for %while3A_138 = %while3A_104 to %while3A_100 step %while3A_106  : i32 {
        %add3A_139 = arith.constant 1 : i32
        %add3A_140 = arith.addi %while3A_138, %add3A_139 : i32
        %lt3A_141 = arith.constant 16 : i32
        %lt3A_142 = arith.cmpi slt, %add3A_140, %lt3A_141 : i32
        %select_n3A_143 = arith.select %lt3A_142, %get3A_69, %get3A_72 : vector<16xi32>
        %lt3A_144 = arith.constant 16 : i32
        %lt3A_145 = arith.cmpi slt, %add3A_140, %lt3A_144 : i32
        %sub3A = arith.constant 16 : i32
        %sub3A_146 = arith.subi %add3A_140, %sub3A : i32
        %select_n3A_147 = arith.select %lt3A_145, %add3A_140, %sub3A_146 : i32
        %eq3A_148 = vector.broadcast %select_n3A_147 : i32 to vector<16xi32>
        %eq3A_149 = arith.cmpi eq, %iota3A, %eq3A_148 : vector<16xi32>
        %jit3A_150 = arith.constant 0 : i32
        %broadcast_in_dim3A_151 = vector.broadcast %jit3A_150 : i32 to vector<16xi32>
        %select_n3A_152 = arith.select %eq3A_149, %select_n3A_143, %broadcast_in_dim3A_151 : vector<16xi1>, vector<16xi32>
        %reduce_sum3A_153 = arith.constant true
        %reduce_sum3A_154 = vector.broadcast %reduce_sum3A_153 : i1 to vector<16xi1>
        %reduce_sum3A_155 = tpu.scan <sum>, %select_n3A_152 masked %reduce_sum3A_154 : vector<16xi32>, vector<16xi1> -> vector<16xi32>
        %reduce_sum3A_156 = vector.extract %reduce_sum3A_155[15] : i32 from vector<16xi32>
        %eq3A_157 = arith.constant 0 : i32
        %eq3A_158 = arith.cmpi eq, %select_n3A_55, %eq3A_157 : i32
        %convert_element_type3A_159 = arith.extui %eq3A_158 : i1 to i32
        %cond3A_160 = arith.constant 0 : i32
        %cond3A_161 = arith.cmpi ne, %convert_element_type3A_159, %cond3A_160 : i32
        scf.if %cond3A_161 {
          %dma_start3A_167 = arith.constant 0 : i32
          %dma_start3A_168 = arith.constant 0 : i32
          %dma_start3A_169 = arith.constant 0 : i32
          %dma_start3A_170 = tpu.memref_slice %arg9[%dma_start3A_167, %dma_start3A_168, %dma_start3A_169] : memref<2x32x1024xf32, #tpu.memory_space<vmem>> -> memref<1x32x1024xf32, #tpu.memory_space<vmem>>
          %dma_start3A_171 = tpu.memref_squeeze %dma_start3A_170 : memref<1x32x1024xf32, #tpu.memory_space<vmem>> -> memref<32x1024xf32, #tpu.memory_space<vmem>>
          %dma_start3A_172 = arith.constant 0 : i32
          %dma_start3A_173 = arith.constant 0 : i32
          %dma_start3A_174 = tpu.memref_slice %arg6[%reduce_sum3A_156, %dma_start3A_172, %dma_start3A_173] : memref<1990x32x1024xf32, #tpu.memory_space<hbm>> -> memref<1x32x1024xf32, #tpu.memory_space<hbm>>
          %dma_start3A_175 = tpu.memref_squeeze %dma_start3A_174 : memref<1x32x1024xf32, #tpu.memory_space<hbm>> -> memref<32x1024xf32, #tpu.memory_space<hbm>>
          %dma_start3A_176 = arith.constant 0 : i32
          %dma_start3A_177 = arith.constant 0 : i32
          %dma_start3A_178 = tpu.memref_slice %arg6[%reduce_sum3A_156, %dma_start3A_176, %dma_start3A_177] : memref<1990x32x1024xf32, #tpu.memory_space<hbm>> -> memref<1x32x1024xf32, #tpu.memory_space<hbm>>
          %dma_start3A_179 = tpu.memref_squeeze %dma_start3A_178 : memref<1x32x1024xf32, #tpu.memory_space<hbm>> -> memref<32x1024xf32, #tpu.memory_space<hbm>>
          %dma_start3A_180 = arith.constant 0 : i32
          %dma_start3A_181 = arith.constant 0 : i32
          %dma_start3A_182 = tpu.memref_slice %arg9[%dma_start3A_167, %dma_start3A_180, %dma_start3A_181] : memref<2x32x1024xf32, #tpu.memory_space<vmem>> -> memref<1x32x1024xf32, #tpu.memory_space<vmem>>
          %dma_start3A_183 = tpu.memref_squeeze %dma_start3A_182 : memref<1x32x1024xf32, #tpu.memory_space<vmem>> -> memref<32x1024xf32, #tpu.memory_space<vmem>>
          tpu.enqueue_dma source(%dma_start3A_183 : memref<32x1024xf32, #tpu.memory_space<vmem>>) target(%dma_start3A_179 : memref<32x1024xf32, #tpu.memory_space<hbm>>) target_semaphore(%arg11 : memref<!tpu.dma_semaphore, #tpu.memory_space<semaphore_mem>>)
        } else {
        }
        %eq3A_162 = arith.constant 1 : i32
        %eq3A_163 = arith.cmpi eq, %select_n3A_55, %eq3A_162 : i32
        %convert_element_type3A_164 = arith.extui %eq3A_163 : i1 to i32
        %cond3A_165 = arith.constant 0 : i32
        %cond3A_166 = arith.cmpi ne, %convert_element_type3A_164, %cond3A_165 : i32
        scf.if %cond3A_166 {
          %dma_start3A_167 = arith.constant 1 : i32
          %dma_start3A_168 = arith.constant 0 : i32
          %dma_start3A_169 = arith.constant 0 : i32
          %dma_start3A_170 = tpu.memref_slice %arg9[%dma_start3A_167, %dma_start3A_168, %dma_start3A_169] : memref<2x32x1024xf32, #tpu.memory_space<vmem>> -> memref<1x32x1024xf32, #tpu.memory_space<vmem>>
          %dma_start3A_171 = tpu.memref_squeeze %dma_start3A_170 : memref<1x32x1024xf32, #tpu.memory_space<vmem>> -> memref<32x1024xf32, #tpu.memory_space<vmem>>
          %dma_start3A_172 = arith.constant 0 : i32
          %dma_start3A_173 = arith.constant 0 : i32
          %dma_start3A_174 = tpu.memref_slice %arg6[%reduce_sum3A_156, %dma_start3A_172, %dma_start3A_173] : memref<1990x32x1024xf32, #tpu.memory_space<hbm>> -> memref<1x32x1024xf32, #tpu.memory_space<hbm>>
          %dma_start3A_175 = tpu.memref_squeeze %dma_start3A_174 : memref<1x32x1024xf32, #tpu.memory_space<hbm>> -> memref<32x1024xf32, #tpu.memory_space<hbm>>
          %dma_start3A_176 = arith.constant 0 : i32
          %dma_start3A_177 = arith.constant 0 : i32
          %dma_start3A_178 = tpu.memref_slice %arg6[%reduce_sum3A_156, %dma_start3A_176, %dma_start3A_177] : memref<1990x32x1024xf32, #tpu.memory_space<hbm>> -> memref<1x32x1024xf32, #tpu.memory_space<hbm>>
          %dma_start3A_179 = tpu.memref_squeeze %dma_start3A_178 : memref<1x32x1024xf32, #tpu.memory_space<hbm>> -> memref<32x1024xf32, #tpu.memory_space<hbm>>
          %dma_start3A_180 = arith.constant 0 : i32
          %dma_start3A_181 = arith.constant 0 : i32
          %dma_start3A_182 = tpu.memref_slice %arg9[%dma_start3A_167, %dma_start3A_180, %dma_start3A_181] : memref<2x32x1024xf32, #tpu.memory_space<vmem>> -> memref<1x32x1024xf32, #tpu.memory_space<vmem>>
          %dma_start3A_183 = tpu.memref_squeeze %dma_start3A_182 : memref<1x32x1024xf32, #tpu.memory_space<vmem>> -> memref<32x1024xf32, #tpu.memory_space<vmem>>
          tpu.enqueue_dma source(%dma_start3A_183 : memref<32x1024xf32, #tpu.memory_space<vmem>>) target(%dma_start3A_179 : memref<32x1024xf32, #tpu.memory_space<hbm>>) target_semaphore(%arg11 : memref<!tpu.dma_semaphore, #tpu.memory_space<semaphore_mem>>)
        } else {
        }
      }
      %ge3A = arith.constant 1 : i32
      %ge3A_107 = arith.cmpi sge, %reduce_sum3A_66, %ge3A : i32
      %eq3A_108 = arith.constant 0 : i32
      %eq3A_109 = arith.cmpi eq, %select_n3A_55, %eq3A_108 : i32
      %and3A_110 = arith.andi %ge3A_107, %eq3A_109 : i1
      %convert_element_type3A_111 = arith.extui %and3A_110 : i1 to i32
      %cond3A_112 = arith.constant 0 : i32
      %cond3A_113 = arith.cmpi ne, %convert_element_type3A_111, %cond3A_112 : i32
      scf.if %cond3A_113 {
        %sub3A = arith.constant 1 : i32
        %sub3A_138 = arith.subi %reduce_sum3A_66, %sub3A : i32
        %dma_start3A_139 = arith.constant 0 : i32
        %dma_start3A_140 = arith.constant 0 : i32
        %dma_start3A_141 = arith.constant 0 : i32
        %dma_start3A_142 = tpu.memref_slice %arg9[%dma_start3A_139, %dma_start3A_140, %dma_start3A_141] : memref<2x32x1024xf32, #tpu.memory_space<vmem>> -> memref<1x32x1024xf32, #tpu.memory_space<vmem>>
        %dma_start3A_143 = tpu.memref_squeeze %dma_start3A_142 : memref<1x32x1024xf32, #tpu.memory_space<vmem>> -> memref<32x1024xf32, #tpu.memory_space<vmem>>
        %dma_start3A_144 = arith.constant 0 : i32
        %dma_start3A_145 = arith.constant 0 : i32
        %dma_start3A_146 = tpu.memref_slice %arg5[%sub3A_138, %dma_start3A_144, %dma_start3A_145] : memref<199x32x1024xf32, #tpu.memory_space<hbm>> -> memref<1x32x1024xf32, #tpu.memory_space<hbm>>
        %dma_start3A_147 = tpu.memref_squeeze %dma_start3A_146 : memref<1x32x1024xf32, #tpu.memory_space<hbm>> -> memref<32x1024xf32, #tpu.memory_space<hbm>>
        %dma_start3A_148 = arith.constant 0 : i32
        %dma_start3A_149 = arith.constant 0 : i32
        %dma_start3A_150 = tpu.memref_slice %arg5[%sub3A_138, %dma_start3A_148, %dma_start3A_149] : memref<199x32x1024xf32, #tpu.memory_space<hbm>> -> memref<1x32x1024xf32, #tpu.memory_space<hbm>>
        %dma_start3A_151 = tpu.memref_squeeze %dma_start3A_150 : memref<1x32x1024xf32, #tpu.memory_space<hbm>> -> memref<32x1024xf32, #tpu.memory_space<hbm>>
        %dma_start3A_152 = arith.constant 0 : i32
        %dma_start3A_153 = arith.constant 0 : i32
        %dma_start3A_154 = tpu.memref_slice %arg9[%dma_start3A_139, %dma_start3A_152, %dma_start3A_153] : memref<2x32x1024xf32, #tpu.memory_space<vmem>> -> memref<1x32x1024xf32, #tpu.memory_space<vmem>>
        %dma_start3A_155 = tpu.memref_squeeze %dma_start3A_154 : memref<1x32x1024xf32, #tpu.memory_space<vmem>> -> memref<32x1024xf32, #tpu.memory_space<vmem>>
        tpu.enqueue_dma source(%dma_start3A_155 : memref<32x1024xf32, #tpu.memory_space<vmem>>) target(%dma_start3A_151 : memref<32x1024xf32, #tpu.memory_space<hbm>>) target_semaphore(%arg11 : memref<!tpu.dma_semaphore, #tpu.memory_space<semaphore_mem>>)
      } else {
      }
      %ge3A_114 = arith.constant 1 : i32
      %ge3A_115 = arith.cmpi sge, %reduce_sum3A_66, %ge3A_114 : i32
      %eq3A_116 = arith.constant 1 : i32
      %eq3A_117 = arith.cmpi eq, %select_n3A_55, %eq3A_116 : i32
      %and3A_118 = arith.andi %ge3A_115, %eq3A_117 : i1
      %convert_element_type3A_119 = arith.extui %and3A_118 : i1 to i32
      %cond3A_120 = arith.constant 0 : i32
      %cond3A_121 = arith.cmpi ne, %convert_element_type3A_119, %cond3A_120 : i32
      scf.if %cond3A_121 {
        %sub3A = arith.constant 1 : i32
        %sub3A_138 = arith.subi %reduce_sum3A_66, %sub3A : i32
        %dma_start3A_139 = arith.constant 1 : i32
        %dma_start3A_140 = arith.constant 0 : i32
        %dma_start3A_141 = arith.constant 0 : i32
        %dma_start3A_142 = tpu.memref_slice %arg9[%dma_start3A_139, %dma_start3A_140, %dma_start3A_141] : memref<2x32x1024xf32, #tpu.memory_space<vmem>> -> memref<1x32x1024xf32, #tpu.memory_space<vmem>>
        %dma_start3A_143 = tpu.memref_squeeze %dma_start3A_142 : memref<1x32x1024xf32, #tpu.memory_space<vmem>> -> memref<32x1024xf32, #tpu.memory_space<vmem>>
        %dma_start3A_144 = arith.constant 0 : i32
        %dma_start3A_145 = arith.constant 0 : i32
        %dma_start3A_146 = tpu.memref_slice %arg5[%sub3A_138, %dma_start3A_144, %dma_start3A_145] : memref<199x32x1024xf32, #tpu.memory_space<hbm>> -> memref<1x32x1024xf32, #tpu.memory_space<hbm>>
        %dma_start3A_147 = tpu.memref_squeeze %dma_start3A_146 : memref<1x32x1024xf32, #tpu.memory_space<hbm>> -> memref<32x1024xf32, #tpu.memory_space<hbm>>
        %dma_start3A_148 = arith.constant 0 : i32
        %dma_start3A_149 = arith.constant 0 : i32
        %dma_start3A_150 = tpu.memref_slice %arg5[%sub3A_138, %dma_start3A_148, %dma_start3A_149] : memref<199x32x1024xf32, #tpu.memory_space<hbm>> -> memref<1x32x1024xf32, #tpu.memory_space<hbm>>
        %dma_start3A_151 = tpu.memref_squeeze %dma_start3A_150 : memref<1x32x1024xf32, #tpu.memory_space<hbm>> -> memref<32x1024xf32, #tpu.memory_space<hbm>>
        %dma_start3A_152 = arith.constant 0 : i32
        %dma_start3A_153 = arith.constant 0 : i32
        %dma_start3A_154 = tpu.memref_slice %arg9[%dma_start3A_139, %dma_start3A_152, %dma_start3A_153] : memref<2x32x1024xf32, #tpu.memory_space<vmem>> -> memref<1x32x1024xf32, #tpu.memory_space<vmem>>
        %dma_start3A_155 = tpu.memref_squeeze %dma_start3A_154 : memref<1x32x1024xf32, #tpu.memory_space<vmem>> -> memref<32x1024xf32, #tpu.memory_space<vmem>>
        tpu.enqueue_dma source(%dma_start3A_155 : memref<32x1024xf32, #tpu.memory_space<vmem>>) target(%dma_start3A_151 : memref<32x1024xf32, #tpu.memory_space<hbm>>) target_semaphore(%arg11 : memref<!tpu.dma_semaphore, #tpu.memory_space<semaphore_mem>>)
      } else {
      }
      %ge3A_122 = arith.constant 1 : i32
      %ge3A_123 = arith.cmpi sge, %reduce_sum3A_66, %ge3A_122 : i32
      %jit3A_124 = arith.constant 1 : i32
      %jit3A_125 = arith.constant 0 : i32
      %select_n3A_126 = arith.select %ge3A_123, %jit3A_124, %jit3A_125 : i32
      %add3A_127 = arith.addi %reduce_sum3A_82, %select_n3A_126 : i32
      %while3A_128 = arith.constant 0 : i32
      %while3A_129 = arith.constant 0 : i32
      %while3A_130 = arith.subi %add3A_127, %while3A_129 : i32
      %while3A_131 = arith.addi %while3A_129, %while3A_130 : i32
      %while3A_132 = arith.constant 1 : i32
      %while3A_133 = arith.divsi %while3A_130, %while3A_132 : i32
      %while3A_134 = arith.muli %while3A_133, %while3A_132 : i32
      %while3A_135 = arith.addi %while3A_129, %while3A_134 : i32
      %while3A_136 = arith.constant 1 : i32
      scf.for %while3A_138 = %while3A_129 to %while3A_135 step %while3A_136  : i32 {
        %dma_wait3A = arith.constant 0 : i32
        %dma_wait3A_139 = arith.constant 0 : i32
        %dma_wait3A_140 = arith.constant 0 : i32
        %dma_wait3A_141 = arith.constant 0 : i32
        %dma_wait3A_142 = tpu.memref_slice %arg9[%dma_wait3A, %dma_wait3A_140, %dma_wait3A_141] : memref<2x32x1024xf32, #tpu.memory_space<vmem>> -> memref<1x32x1024xf32, #tpu.memory_space<vmem>>
        %dma_wait3A_143 = tpu.memref_squeeze %dma_wait3A_142 : memref<1x32x1024xf32, #tpu.memory_space<vmem>> -> memref<32x1024xf32, #tpu.memory_space<vmem>>
        %dma_wait3A_144 = arith.constant 0 : i32
        %dma_wait3A_145 = arith.constant 0 : i32
        %dma_wait3A_146 = tpu.memref_slice %arg6[%dma_wait3A_139, %dma_wait3A_144, %dma_wait3A_145] : memref<1990x32x1024xf32, #tpu.memory_space<hbm>> -> memref<1x32x1024xf32, #tpu.memory_space<hbm>>
        %dma_wait3A_147 = tpu.memref_squeeze %dma_wait3A_146 : memref<1x32x1024xf32, #tpu.memory_space<hbm>> -> memref<32x1024xf32, #tpu.memory_space<hbm>>
        %dma_wait3A_148 = arith.constant 0 : i32
        %dma_wait3A_149 = arith.constant 0 : i32
        %dma_wait3A_150 = tpu.memref_slice %arg6[%dma_wait3A_139, %dma_wait3A_148, %dma_wait3A_149] : memref<1990x32x1024xf32, #tpu.memory_space<hbm>> -> memref<1x32x1024xf32, #tpu.memory_space<hbm>>
        %dma_wait3A_151 = tpu.memref_squeeze %dma_wait3A_150 : memref<1x32x1024xf32, #tpu.memory_space<hbm>> -> memref<32x1024xf32, #tpu.memory_space<hbm>>
        %dma_wait3A_152 = arith.constant 0 : i32
        %dma_wait3A_153 = arith.constant 0 : i32
        %dma_wait3A_154 = tpu.memref_slice %arg9[%dma_wait3A, %dma_wait3A_152, %dma_wait3A_153] : memref<2x32x1024xf32, #tpu.memory_space<vmem>> -> memref<1x32x1024xf32, #tpu.memory_space<vmem>>
        %dma_wait3A_155 = tpu.memref_squeeze %dma_wait3A_154 : memref<1x32x1024xf32, #tpu.memory_space<vmem>> -> memref<32x1024xf32, #tpu.memory_space<vmem>>
        tpu.wait_dma2 semaphore(%arg11 : memref<!tpu.dma_semaphore, #tpu.memory_space<semaphore_mem>>) src(%dma_wait3A_155 : memref<32x1024xf32, #tpu.memory_space<vmem>>) dst(%dma_wait3A_151 : memref<32x1024xf32, #tpu.memory_space<hbm>>)
      }
      %while3A_137 = arith.constant 1 : i32
      scf.for %while3A_138 = %while3A_135 to %while3A_131 step %while3A_137  : i32 {
        %dma_wait3A = arith.constant 0 : i32
        %dma_wait3A_139 = arith.constant 0 : i32
        %dma_wait3A_140 = arith.constant 0 : i32
        %dma_wait3A_141 = arith.constant 0 : i32
        %dma_wait3A_142 = tpu.memref_slice %arg9[%dma_wait3A, %dma_wait3A_140, %dma_wait3A_141] : memref<2x32x1024xf32, #tpu.memory_space<vmem>> -> memref<1x32x1024xf32, #tpu.memory_space<vmem>>
        %dma_wait3A_143 = tpu.memref_squeeze %dma_wait3A_142 : memref<1x32x1024xf32, #tpu.memory_space<vmem>> -> memref<32x1024xf32, #tpu.memory_space<vmem>>
        %dma_wait3A_144 = arith.constant 0 : i32
        %dma_wait3A_145 = arith.constant 0 : i32
        %dma_wait3A_146 = tpu.memref_slice %arg6[%dma_wait3A_139, %dma_wait3A_144, %dma_wait3A_145] : memref<1990x32x1024xf32, #tpu.memory_space<hbm>> -> memref<1x32x1024xf32, #tpu.memory_space<hbm>>
        %dma_wait3A_147 = tpu.memref_squeeze %dma_wait3A_146 : memref<1x32x1024xf32, #tpu.memory_space<hbm>> -> memref<32x1024xf32, #tpu.memory_space<hbm>>
        %dma_wait3A_148 = arith.constant 0 : i32
        %dma_wait3A_149 = arith.constant 0 : i32
        %dma_wait3A_150 = tpu.memref_slice %arg6[%dma_wait3A_139, %dma_wait3A_148, %dma_wait3A_149] : memref<1990x32x1024xf32, #tpu.memory_space<hbm>> -> memref<1x32x1024xf32, #tpu.memory_space<hbm>>
        %dma_wait3A_151 = tpu.memref_squeeze %dma_wait3A_150 : memref<1x32x1024xf32, #tpu.memory_space<hbm>> -> memref<32x1024xf32, #tpu.memory_space<hbm>>
        %dma_wait3A_152 = arith.constant 0 : i32
        %dma_wait3A_153 = arith.constant 0 : i32
        %dma_wait3A_154 = tpu.memref_slice %arg9[%dma_wait3A, %dma_wait3A_152, %dma_wait3A_153] : memref<2x32x1024xf32, #tpu.memory_space<vmem>> -> memref<1x32x1024xf32, #tpu.memory_space<vmem>>
        %dma_wait3A_155 = tpu.memref_squeeze %dma_wait3A_154 : memref<1x32x1024xf32, #tpu.memory_space<vmem>> -> memref<32x1024xf32, #tpu.memory_space<vmem>>
        tpu.wait_dma2 semaphore(%arg11 : memref<!tpu.dma_semaphore, #tpu.memory_space<semaphore_mem>>) src(%dma_wait3A_155 : memref<32x1024xf32, #tpu.memory_space<vmem>>) dst(%dma_wait3A_151 : memref<32x1024xf32, #tpu.memory_space<hbm>>)
      }
    }
    return
  }
}

</mosaic_0001>

<sc_bundles>
// kernel: kernel.3.cloned.1.call-start
scs
__scs_entry_jumppad:
0x0: {  	(pc) =	sbr.rel $0x88, $3  }
0x1: {  	(tag) =	ssettag $0x0;
	lr =	simm.s32 $0x1  }
0x2: {  	[smem:$0x3FA0] =	sst lr;
	_ =	strace $0xD0000000  }
0x3: {  	_ = 	snop  }
0x4: {  	_ = 	snop  }
0x5: {  	_ = 	snop  }
0x6: {  	_ = 	snop  }
0x7: {  	_ = 	snop  }
__scs_overlays_trampoline_lowered:
0x8: {  	[smem:$0x3FAF] =	sst s0  }
0x9: {  	[smem:$0x3FB0] =	sst s1  }
0xa: {  	[smem:$0x3FB1] =	sst s2  }
0xb: {  	[smem:$0x3FB2] =	sst s3  }
0xc: {  	[smem:$0x3FB3] =	sst s4  }
0xd: {  	[smem:$0x3FB4] =	sst s5  }
0xe: {  	[smem:$0x3FB5] =	sst s6  }
0xf: {  	[smem:$0x3FB6] =	sst s7  }
0x10: {  	[smem:$0x3FB7] =	sst s8  }
0x11: {  	[smem:$0x3FB8] =	sst s9;
	s0 =	simm.s32 @!p0 $0x0  }
0x12: {  	s1 =	sld [smem:$0x3F9E];
	s0 =	simm.s32 @p0 $0x1  }
0x13: {  	[smem:$0x3FB9] =	sst s0;
	s0 =	simm.s32 @!p1 $0x0  }
0x14: {  	s2 =	sld [smem:$0x3F9D];
	s0 =	simm.s32 @p1 $0x1  }
0x15: {  	[smem:$0x3FBA] =	sst s0;
	s0 =	simm.s32 @!p2 $0x0  }
0x16: {  	s3 =	sld [smem:$0x3FDB];
	s0 =	simm.s32 @p2 $0x1  }
0x17: {  	s4 =	simm.s32 $0x1BF5;
	[smem:$0x3FBC] =	sst s0  }
0x18: {  	s0 =	sld [smem:$0x3F9F];
	_ =	swait.ge [sflag:s4], $0x0  }
0x19: {  	s7 =	sld [smem:$0x3FA0]  }
0x1a: {  	s8 =	sadd.s32 $0xFFFFE003, lr  }
0x1b: {  	s9 =	sadd.s32 $0xFFFFFEF7, lr;
	s5 =	simm.s32 $0xFFFFFFFF;
	p2 =	slt.u32 s8, $0xFFFFF086  }
0x1c: {  	p1 =	slt.u32 s9, $0xF7A;
	s5 =	simm.s32 @!p2 $0x0  }
0x1d: {  	s5 =	simm.s32 @p1 $0x1;
	p0 =	seq.s32 s7, s2  }
0x1e: {  	s7 =	smul.u32 @!p0 $0xF7A, s2;
	p2 =	seq.s32 @!p0 s5, $0x0  }
0x1f: {  	s9 =	smul.u32 $0xF7A, s1;
	s8 =	simm.s32 @!p0 $0x1BF5;
	p2 =	por !p2, p0  }
0x20: {  	[sflag:s8] =	ssyncset.s32 @!p0 $0xFFFFF086;
	s6 =	sadd.s32 @!p0 s3, s7;
	s7 =	simm.s32 @!p0 $0x108  }
0x21: {  	s3 =	sadd.s32 s3, s9;
	s6 =	sadd.s32 @!p0 $0x88, s6;
	s7 =	simm.s32 @p2 $0x1082  }
0x22: {  	[simem:s7], [sflag:s8] =	dma.local @!p0 [hbm:s6], $0xF7A  }
0x23: {  	s9 =	sor.u32 $0xD0000000, s2;
	s6 =	simm.s32 $0x108;
	_ =	swait.ge @!p0 [sflag:s8], $0x0  }
0x24: {  	s3 =	sadd.s32 $0x88, s3;
	s6 =	simm.s32 @!p1 $0x1082;
	[sflag:s4] =	ssyncset.s32 $0xFFFFF086  }
0x25: {  	[simem:s6], [sflag:s4] =	dma.local [hbm:s3], $0xF7A  }
0x26: {  	[smem:$0x3FA0] =	sst s1;
	(tag) =	ssettag s2;
	_ =	strace s9  }
0x27: {  	s1 =	sld [smem:$0x3FB0]  }
0x28: {  	s2 =	sld [smem:$0x3FB1]  }
0x29: {  	s4 =	sld [smem:$0x3FB3]  }
0x2a: {  	p0 =	seq.s32 s5, $0x0;
	s5 =	sld [smem:$0x3FB4]  }
0x2b: {  	s6 =	sld [smem:$0x3FB5]  }
0x2c: {  	s7 =	sld [smem:$0x3FB6]  }
0x2d: {  	s3 =	simm.s32 $0x108;
	s8 =	sld [smem:$0x3FB7]  }
0x2e: {  	s3 =	simm.s32 @!p0 $0x1082;
	s9 =	sld [smem:$0x3FB8]  }
0x2f: {  	lr =	sadd.s32 s0, s3;
	s0 =	sld [smem:$0x3FAF]  }
0x30: {  	s3 =	sld [smem:$0x3FB2]  }
0x31: {  	[smem:$0x3FBB] =	sst s10  }
0x32: {  	s10 =	sld [smem:$0x3FB9];
	_ =	sdelay $0x3  }
0x33: {  	p0 =	seq.s32 s10, $0x1;
	s10 =	sld [smem:$0x3FBB];
	_ =	sdelay $0x3  }
0x34: {  	[smem:$0x3FBB] =	sst s10  }
0x35: {  	s10 =	sld [smem:$0x3FBA];
	_ =	sdelay $0x3  }
0x36: {  	p1 =	seq.s32 s10, $0x1;
	s10 =	sld [smem:$0x3FBB];
	_ =	sdelay $0x3  }
0x37: {  	[smem:$0x3FBB] =	sst s10  }
0x38: {  	s10 =	sld [smem:$0x3FBC]  }
0x39: {  	_ = 	snop;
	(pc) =	sbr.ind lr, $3  }
0x3a: {  	_ = 	snop  }
0x3b: {  	_ = 	snop  }
0x3c: {  	p2 =	seq.s32 s10, $0x1;
	s10 =	sld [smem:$0x3FBB]  }
0x3d: {  	_ =	shalt  }
0x3e: {  	_ =	shalt  }
0x3f: {  	_ =	shalt  }
0x40: {  	_ =	shalt  }
0x41: {  	_ =	shalt  }
0x42: {  	_ =	shalt  }
0x43: {  	_ =	shalt  }
0x44: {  	_ =	shalt  }
0x45: {  	_ =	shalt  }
0x46: {  	_ =	shalt  }
0x47: {  	_ =	shalt  }
0x48: {  	_ =	shalt  }
0x49: {  	_ =	shalt  }
0x4a: {  	_ =	shalt  }
0x4b: {  	_ =	shalt  }
0x4c: {  	_ =	shalt  }
0x4d: {  	_ =	shalt  }
0x4e: {  	_ =	shalt  }
0x4f: {  	_ =	shalt  }
0x50: {  	_ =	shalt  }
0x51: {  	_ =	shalt  }
0x52: {  	_ =	shalt  }
0x53: {  	_ =	shalt  }
0x54: {  	_ =	shalt  }
0x55: {  	_ =	shalt  }
0x56: {  	_ =	shalt  }
0x57: {  	_ =	shalt  }
0x58: {  	_ =	shalt  }
0x59: {  	_ =	shalt  }
0x5a: {  	_ =	shalt  }
0x5b: {  	_ =	shalt  }
0x5c: {  	_ =	shalt  }
0x5d: {  	_ =	shalt  }
0x5e: {  	_ =	shalt  }
0x5f: {  	_ =	shalt  }
0x60: {  	_ =	shalt  }
0x61: {  	_ =	shalt  }
0x62: {  	_ =	shalt  }
0x63: {  	_ =	shalt  }
0x64: {  	_ =	shalt  }
0x65: {  	_ =	shalt  }
0x66: {  	_ =	shalt  }
0x67: {  	_ =	shalt  }
0x68: {  	_ =	shalt  }
0x69: {  	_ =	shalt  }
0x6a: {  	_ =	shalt  }
0x6b: {  	_ =	shalt  }
0x6c: {  	_ =	shalt  }
0x6d: {  	_ =	shalt  }
0x6e: {  	_ =	shalt  }
0x6f: {  	_ =	shalt  }
0x70: {  	_ =	shalt  }
0x71: {  	_ =	shalt  }
0x72: {  	_ =	shalt  }
0x73: {  	_ =	shalt  }
0x74: {  	_ =	shalt  }
0x75: {  	_ =	shalt  }
0x76: {  	_ =	shalt  }
0x77: {  	_ =	shalt  }
0x78: {  	_ =	shalt  }
0x79: {  	_ =	shalt  }
0x7a: {  	_ =	shalt  }
0x7b: {  	_ =	shalt  }
0x7c: {  	_ =	shalt  }
0x7d: {  	_ =	shalt  }
0x7e: {  	_ =	shalt  }
0x7f: {  	_ =	shalt  }
0x80: {  	_ =	shalt  }
0x81: {  	_ =	shalt  }
0x82: {  	_ =	shalt  }
0x83: {  	_ =	shalt  }
0x84: {  	_ =	shalt  }
0x85: {  	_ =	shalt  }
0x86: {  	_ =	shalt  }
0x87: {  	_ =	shalt  }
.Lfunc_end0:
.L_simem_size_0:
called_computation_lowered:
.L_overlay_start_0:
0x88: {  	s2 =	sld [smem:$0x3FD9]  }
0x89: {  	s3 =	sld [smem:$0x3FFE];
	_ =	sdelay $0x1  }
0x8a: {  	s1 =	srdreg.scid  }
0x8b: {  	s0 =	sand.u32 $0x1, s1  }
0x8c: {  	s14 =	sshll.u32 s0, $0xA;
	s2 =	sadd.s32 s3, s2  }
0x8d: {  	s2 =	sadd.s32 s2, s14  }
0x8e: {  	[smem:$0x3FC7] =	sst s2  }
0x8f: {  	_ = 	snop  }
0x90: {  	s2 =	sld [smem:$0x3FD0];
	_ =	sdelay $0x2  }
0x91: {  	s4 =	simm.s32 $0xA;
	s5 =	simm.s32 $0x10;
	s15 =	sld [smem:$0x3FC9]  }
0x92: {  	[smem:s5], [sflag:s4] =	dma.local [hbm:s2], $0x1  }
0x93: {  	_ =	swait.eq [sflag:s4], $0x1  }
0x94: {  	[sflag:s4] =	ssyncset.done $0x0  }
0x95: {  	s16 =	sld [smem:$0x10];
	[sflag:s4] =	ssyncadd.s32 $0xFFFFFFFF  }
0x96: {  	s17 =	sld [smem:$0x11];
	(tm) =	ssettm $0x1  }
0x97: {  	s18 =	sld [smem:$0x3FFB];
	_ =	sdelay $0x3  }
0x98: {  	_ =	strace s18  }
0x99: {  	s5 =	sld [smem:$0x3FFC];
	_ =	sdelay $0x3  }
0x9a: {  	_ =	strace s5  }
0x9b: {  	s5 =	sld [smem:$0x3FFD];
	_ =	sdelay $0x3  }
0x9c: {  	_ =	strace s5  }
0x9d: {  	_ =	strace $0x8FFFFFFF  }
0x9e: {  	s19 =	sld [smem:$0x3FDB];
	_ =	sdelay $0x1  }
0x9f: {  	s6 =	simm.s32 $_scs_section_size  }
0xa0: {  	s7 =	simm.s32 $_size__tile_overlayer_lowered;
	s8 =	simm.s32 $_tile_overlayer_lowered  }
0xa1: {  	s22 =	simm.s32 $0x1BFF;
	s21 =	sshll.u32 s8, $0x1;
	s5 =	sadd.s32 s6, s19  }
0xa2: {  	s9 =	simm.s32 $0x0;
	s20 =	sshll.u32 s7, $0x1;
	s7 =	sadd.s32 s21, s5  }
0xa3: {  	[timem:s9], [sflag:s22] =	dma.local [hbm:s7], s20  }
0xa4: {  	_ =	swait.ge [sflag:s22], s20  }
0xa5: {  	s6 =	ssub.s32 $0x0, s20;
	[sflag:s22] =	ssyncset.done $0x0  }
0xa6: {  	[sflag:s22] =	ssyncadd.s32 s6;
	_ =	sdelay $0x1  }
0xa7: {  	s23 =	simm.s32 $0x1B8B  }
0xa8: {  	_ =	swait.ge [sflag:s23], $0x1  }
0xa9: {  	[sflag:s23] =	ssyncset.done $0x0  }
0xaa: {  	s25 =	simm.s32 $0x1B8E;
	s24 =	sld [smem:$0x3FFE];
	[sflag:s23] =	ssyncadd.s32 $0xFFFFFFFF  }
0xab: {  	s26 =	simm.s32 $execute0_lowered;
	[smem:$0x3FD2] =	sst s25  }
0xac: {  	s7 =	sshll.u32 s26, $0x1;
	_ =	strace $0x80000046;
	[dreg:$0x1] =	wrdreg $0xFFFFFFFF  }
0xad: {  	s28 =	simm.s32 $_size_execute0_lowered;
	s5 =	sadd.s32 s5, s7;
	[dreg:$0x0] =	wrdreg $0x0  }
0xae: {  	s7 =	sshll.u32 s28, $0x1;
	[dreg:$0x2] =	wrdreg s5  }
0xaf: {  	[dreg:$0x3] =	wrdreg s7  }
0xb0: {  	[dreg:$0x4] =	wrdreg $0xC0  }
0xb1: {  	_ =	task [dreg:s9], $0x5FFFF  }
0xb2: {  	[dreg:$0x1] =	wrdreg $0xFFFFFFFF  }
0xb3: {  	[dreg:$0x0] =	wrdreg $0x60  }
0xb4: {  	[dreg:$0x2] =	wrdreg s15  }
0xb5: {  	[dreg:$0x3] =	wrdreg s24  }
0xb6: {  	[dreg:$0x4] =	wrdreg s16  }
0xb7: {  	[dreg:$0x5] =	wrdreg s17  }
0xb8: {  	[dreg:$0x6] =	wrdreg $0x9  }
0xb9: {  	_ =	task.clear_ibuf [dreg:s9], $0x7FFFF;
	_ =	strace $0x90000046  }
0xba: {  	s29 =	simm.s32 $0x9;
	_ =	strace $0x80000048  }
0xbb: {  	_ =	swait.ge [sflag:s29], $0x1  }
0xbc: {  	[sflag:s29] =	ssyncadd.s32 $0xFFFFFFFF  }
0xbd: {  	_ =	strace $0x90000048  }
0xbe: {  	_ =	sfence  }
0xbf: {  	s30 =	sld [smem:$0x0];
	_ =	sdelay $0x2  }
0xc0: {  	s31 =	sshll.u32 s1, $0xD;
	s1 =	sshrl.u32 s1, $0x2  }
0xc1: {  	s3 =	sand.u32 $0x4000, s31;
	s1 =	sadd.s32 s1, s30  }
0xc2: {  	s0 =	sor.u32 s3, s0;
	s1 =	sshll.u32 s1, $0x11  }
0xc3: {  	s0 =	sor.u32 s1, s0  }
0xc4: {  	s0 =	sadd.s32 $0x8F2B, s0  }
0xc5: {  	[sflag:s0] =	ssyncadd.remote.s32 $0x1  }
0xc6: {  	_ =	sfence.sel $0xFFFF  }
0xc7: {  	[dreg:$0x0] =	wrdreg $0xFFFFFFFF;
	(pc) =	sbr.abs _section_cstart, $3  }
0xc8: {  	[dreg:$0x1] =	wrdreg $0xFFFFFFFF  }
0xc9: {  	_ =	task.clear_ibuf [dreg:s9], $0x2FFFF;
	_ =	strace $0x9FFFFFFF  }
0xca: {  	(tm) =	ssettm $0x7FFFFFFF  }
0xcb: {  	_ =	shalt  }
tec
execute0_lowered:
.L_overlay_start_1:
0x0: {  	(tag) =	ssettag $0x1  }
0x1: {  	s1 =	rddreg [dreg:$0x0]  }
0x2: {  	s5 =	rddreg [dreg:$0x1]  }
0x3: {  	s2 =	rddreg [dreg:$0x2]  }
0x4: {  	s3 =	rddreg [dreg:$0x3]  }
0x5: {  	s0 =	rddreg [dreg:$0x4];
	s4 =	simm.s32 $0x0;
	s6 =	srdreg.scid  }
0x6: {  	s13 =	simm.s32 $0x2;
	s14 =	simm.s32 $0x0;
	[smem:$0x7FF] =	sst s4  }
0x7: {  	s8 =	sand.u32 $0x1, s6;
	s6 =	sadd.s32 $0xA00, s5;
	s7 =	sadd.s32 $0x800, s5  }
.Ltmp0:
0x8: {  	s5 =	stileid.u32;
	_ =	strace $0x80000047;
	(pc) =	sbr.rel .LBB2_1-.Ltmp0, $4  }
0x9: {  	s9 =	ssub.s32 $0x2, s8;
	s31 =	sshll.u32 s5, $0x8;
	s11 =	sshll.u32 s8, $0x9  }
0xa: {  	s10 =	sshrl.u32 s9, $0x1;
	s12 =	sadd.s32 $0x6400, s31;
	s11 =	sshrl.u32 s11, $0x2  }
0xb: {  	s9 =	ssub.s32 s9, s10;
	s10 =	simm.s32 $0x6400;
	s11 =	sadd.s32 s11, s12  }
0xc: {  	vm0 =	vmmov $0x1;
	vm1 =	vcmask $0x308;
	v0 =	vlaneseq.u32;
	s12 =	simm.s32 $0x7400;
	s8 =	smax.u32 s9, $0x1;
	s9 =	simm.s32 $0x3  }
.LBB2_2:
0xd: {  	s14 =	sadd.s32 $0x1, s14  }
0xe: {  	p0 =	sne.s32 s14, s8  }
.Ltmp1:
0xf: {  	_ = 	snop;
	(pc) =	sbr.rel @!p0 .LBB2_3-.Ltmp1, $1  }
0x10: {  	_ =	sdelay $0x3  }
.LBB2_1:
0x11: {  	[tilespmem:s4], [sflag:$0x3] =	stream.linear.gather [hbm4b:s6+s4], $0x6400, $0x38;
	[tilespmem:$0x17400] =	vst v63  }
0x12: {  	_ =	swait.ge [sflag:s9], $0x6400  }
0x13: {  	[sflag:s9] =	ssyncset.done $0x0  }
0x14: {  	[sflag:s9] =	ssyncadd.s32 $0xFFFF9C00  }
0x15: {  	[tilespmem:s10], [sflag:$0x3] =	stream.linear.gather [hbm4b:s7+s4], $0x1000, $0x38;
	[tilespmem:$0x17400] =	vst v63  }
0x16: {  	_ =	swait.ge [sflag:s9], $0x1000  }
0x17: {  	[sflag:s9] =	ssyncset.done $0x0  }
0x18: {  	[sflag:s9] =	ssyncadd.s32 $0xFFFFF000  }
0x19: {  	v1 =	vld [tilespmem:s11+$0x0];
	_ =	sdelay $0x4  }
0x1a: {  	v2 =	vnsel vm0, $0x0, v1  }
0x1b: {  	(xrf0) =	vadd.scan.msk.s32 $0xffff, v2;
	v2 =	vsel vm1, $0x0, v1  }
0x1c: {  	(xrf0) =	vadd.scan.msk.s32 $0xffff, v2;
	_ =	sdelay $0x4  }
0x1d: {  	v2, _, _ =	vpop (xrf0)  }
0x1e: {  	(v2sf) =	vpush v2, $0xF;
	v2, _, _ =	vpop (xrf0)  }
0x1f: {  	(v2sf) =	vpush v2, $0xF;
	_ =	sdelay $0xd  }
0x20: {  	s15 =	spop (v2sf)  }
0x21: {  	s16 =	spop (v2sf);
	p0 =	sgt.s32 s15, $0x0  }
.Ltmp2:
0x22: {  	s16 =	sshll.u32 s16, $0xC;
	(pc) =	sbr.rel @p0 .LBB2_5-.Ltmp2, $4  }
.Ltmp3:
0x23: {  	s16 =	sand.u32 $0x1FFFF000, s16;
	(pc) =	sbr.rel @!p0 .LBB2_2-.Ltmp3, $4  }
0x24: {  	s16 =	sadd.s32 s1, s16  }
0x25: {  	[tilespmem:s12], [sflag:$0x1] =	stream.linear.gather [hbm4b:s16+s4], $0x8000, $0x38;
	[tilespmem:$0x17400] =	vst v63  }
0x26: {  	s16 =	simm.s32 $0x0  }
0x27: {  	_ = 	snop  }
.LBB2_20:
0x28: {  	[sflag:s13] =	ssyncadd.s32 $0xFFFF8000  }
.LBB2_4:
0x29: {  	p0 =	seq.s32 s16, s15  }
.Ltmp4:
0x2a: {  	_ = 	snop;
	(pc) =	sbr.rel @p0 .LBB2_2-.Ltmp4, $1  }
0x2b: {  	_ =	sdelay $0x3  }
.LBB2_5:
0x2c: {  	s20 =	smov.u32 s16;
	s16 =	sadd.s32 $0x1, s16  }
0x2d: {  	v2 =	vmov s16  }
0x2e: {  	vm2 =	veq.s32 v2, v0  }
0x2f: {  	v2 =	vnsel vm2, $0x0, v1  }
0x30: {  	(xrf0) =	vadd.scan.msk.s32 $0xffff, v2;
	_ =	sdelay $0x5  }
0x31: {  	v2, _, _ =	vpop (xrf0)  }
0x32: {  	(v2sf) =	vpush v2, $0xF;
	_ =	sdelay $0xe  }
0x33: {  	s17 =	spop (v2sf)  }
0x34: {  	s18 =	sshll.u32 s17, $0x9  }
0x35: {  	s18 =	sshra.s32 s18, $0x2  }
0x36: {  	v2 =	vld [tilespmem:s18+$0x0];
	_ =	sdelay $0x4  }
0x37: {  	v3 =	vnsel vm0, $0x0, v2  }
0x38: {  	(xrf0) =	vadd.scan.msk.s32 $0xffff, v3;
	_ =	sdelay $0x5  }
0x39: {  	v3, _, _ =	vpop (xrf0)  }
0x3a: {  	(v2sf) =	vpush v3, $0xF;
	_ =	sdelay $0xc  }
0x3b: {  	s19 =	sand.u32 $0x1, s20  }
0x3c: {  	p0 =	seq.s32 s19, $0x1  }
0x3d: {  	p1 =	sge.s32 s16, s15;
	s21 =	simm.s32 @!p0 $0x1;
	v3 =	vld [tilespmem:s18+$0x10];
	s18 =	spop (v2sf)  }
0x3e: {  	s20 =	sadd.s32 @!p1 $0x2, s20;
	_ =	swait.ge @!p0 [sflag:s21], $0x8000  }
0x3f: {  	p2 =	seq.s32 s19, $0x0;
	v5 =	vlaneseq.u32 @!p1;
	v4 =	vmov @!p1 s20;
	[sflag:s21] =	ssyncset.done @!p0 $0x0  }
0x40: {  	s20 =	simm.s32 @!p2 $0x1;
	vm2 =	veq.s32 @!p1 v4, v5;
	[sflag:s21] =	ssyncadd.s32 @!p0 $0xFFFF8000  }
0x41: {  	v4 =	vnsel @!p1 vm2, $0x0, v1;
	_ =	swait.ge @!p2 [sflag:s20], $0x8000  }
0x42: {  	(xrf0) =	vadd.scan.msk.s32 @!p1 $0xffff, v4;
	_ =	sdelay $0x5  }
0x43: {  	v4, _, _ =	vpop @!p1 (xrf0)  }
0x44: {  	(v2sf) =	vpush @!p1 v4, $0xF;
	_ =	sdelay $0xd  }
0x45: {  	p3 =	sne.s32 @!p1 s19, $0x0  }
0x46: {  	p3 =	por p3, p1;
	s21 =	spop @!p1 (v2sf)  }
0x47: {  	[sflag:s20] =	ssyncset.done @!p2 $0x0;
	s22 =	sshll.u32 @!p3 s21, $0xC  }
0x48: {  	s23 =	simm.s32 @!p3 $0xF400;
	[sflag:s20] =	ssyncadd.s32 @!p2 $0xFFFF8000;
	s20 =	sand.u32 @!p3 $0x1FFFF000, s22  }
0x49: {  	p1 =	por !p0, p1;
	s22 =	simm.s32 @!p3 $0x0;
	s20 =	sadd.s32 @!p3 s1, s20  }
0x4a: {  	[tilespmem:s23], [sflag:$0x1] =	stream.linear.gather @!p3 [hbm4b:s20+s22], $0x8000, $0x38;
	[tilespmem:$0x17400] =	vst v63  }
0x4b: {  	s20 =	sshll.u32 @!p1 s21, $0xC  }
0x4c: {  	s20 =	sand.u32 @!p1 $0x1FFFF000, s20  }
0x4d: {  	s21 =	simm.s32 @!p1 $0x0;
	s22 =	simm.s32 @!p1 $0x7400;
	s20 =	sadd.s32 @!p1 s1, s20  }
0x4e: {  	[tilespmem:s22], [sflag:$0x1] =	stream.linear.gather @!p1 [hbm4b:s20+s21], $0x8000, $0x38;
	[tilespmem:$0x17400] =	vst v63  }
0x4f: {  	p1 =	slt.s32 s18, $0x1  }
.Ltmp5:
0x50: {  	_ = 	snop;
	(pc) =	sbr.rel @p1 .LBB2_17-.Ltmp5, $2  }
0x51: {  	_ =	sdelay $0x2  }
0x52: {  	s21 =	simm.s32 $0x0  }
0x53: {  	s20 =	sadd.s32 $0x1, s21  }
0x54: {  	p4 =	sne.s32 s20, s18  }
.Ltmp6:
0x55: {  	_ = 	snop;
	(pc) =	sbr.rel @!p4 .LBB2_7-.Ltmp6, $4  }
0x56: {  	_ = 	snop  }
0x57: {  	p5 =	slt.u32 s21, $0xF;
	s21 =	sadd.s32 $0xFFFFFFF1, s21  }
0x58: {  	s21 =	smov.u32 @p5 s20  }
0x59: {  	p1 =	por $0x0, $0x0;
	p2 =	por $0x0, $0x0;
	p3 =	por $0x0, $0x0;
	v4 =	vmov s21  }
0x5a: {  	s21 =	sadd.s32 $0x1, s20  }
0x5b: {  	v5 =	vpsel p5, v2, v3;
	p5 =	sne.s32 s21, s18  }
.Ltmp7:
0x5c: {  	_ = 	snop;
	(pc) =	sbr.rel @!p5 .LBB2_9-.Ltmp7, $4  }
0x5d: {  	_ = 	snop  }
0x5e: {  	p4 =	slt.u32 s20, $0xF;
	vm2 =	veq.s32 v4, v0;
	s20 =	sadd.s32 $0xFFFFFFF1, s20  }
0x5f: {  	v4 =	vnsel vm2, $0x0, v5;
	s20 =	smov.u32 @p4 s21  }
0x60: {  	p1 =	por $0x1, $0x1;
	(xrf0) =	vadd.scan.msk.s32 $0xffff, v4;
	v4 =	vmov s20  }
0x61: {  	_ =	sdelay $0x4  }
0x62: {  	vm2 =	veq.s32 v4, v0;
	v4, _, _ =	vpop (xrf0)  }
0x63: {  	(v2sf) =	vpush v4, $0xF;
	_ =	sdelay $0x7  }
0x64: {  	s20 =	sadd.s32 $0x1, s21  }
0x65: {  	v5 =	vpsel p4, v2, v3;
	p4 =	sne.s32 s20, s18  }
.Ltmp8:
0x66: {  	_ = 	snop;
	(pc) =	sbr.rel @!p4 .LBB2_11-.Ltmp8, $4  }
0x67: {  	_ = 	snop  }
0x68: {  	p5 =	slt.u32 s21, $0xF;
	s21 =	sadd.s32 $0xFFFFFFF1, s21  }
0x69: {  	v5 =	vnsel vm2, $0x0, v5;
	s21 =	smov.u32 @p5 s20  }
0x6a: {  	p2 =	por $0x1, $0x1;
	(xrf0) =	vadd.scan.msk.s32 $0xffff, v5;
	v4 =	vmov s21  }
0x6b: {  	_ =	sdelay $0x2  }
0x6c: {  	v5 =	vpsel p5, v2, v3;
	vm2 =	veq.s32 v4, v0  }
0x6d: {  	s21 =	sadd.s32 $0x1, s20;
	v5 =	vnsel vm2, $0x0, v5  }
0x6e: {  	p5 =	sne.s32 s21, s18;
	v4, _, _ =	vpop (xrf0);
	(xrf0) =	vadd.scan.msk.s32 $0xffff, v5  }
.Ltmp9:
0x6f: {  	(v2sf) =	vpush v4, $0xF;
	(pc) =	sbr.rel @!p5 .LBB2_13-.Ltmp9, $4  }
0x70: {  	_ = 	snop  }
0x71: {  	p4 =	slt.u32 s20, $0xF;
	s20 =	sadd.s32 $0xFFFFFFF1, s20  }
0x72: {  	s20 =	smov.u32 @p4 s21  }
0x73: {  	p3 =	por $0x1, $0x1;
	v4 =	vmov s20;
	s20 =	simm.s32 @p0 $0x0  }
.LBB2_14:
0x74: {  	v5 =	vpsel p4, v2, v3;
	p4 =	slt.u32 s21, $0xF;
	vm2 =	veq.s32 v4, v0;
	v4, _, _ =	vpop (xrf0);
	p5 =	sne.s32 s19, $0x0;
	s22 =	spop (v2sf)  }
0x75: {  	s23 =	sadd.s32 $0xFFFFFFF1, s21;
	s21 =	sadd.s32 $0x1, s21;
	v5 =	vnsel vm2, $0x0, v5;
	(v2sf) =	vpush v4, $0xF;
	s24 =	sshll.u32 @!p5 s22, $0xC  }
0x76: {  	s25 =	simm.s32 @!p5 $0x0;
	s22 =	sshll.u32 @p0 s22, $0xC;
	(xrf0) =	vadd.scan.msk.s32 $0xffff, v5;
	s24 =	sand.u32 @!p5 $0x1FFFF000, s24  }
0x77: {  	s26 =	simm.s32 @!p5 $0x7400;
	s22 =	sand.u32 @p0 $0x1FFFF000, s22;
	s24 =	sadd.s32 @!p5 s3, s24  }
0x78: {  	[hbm4b:s24+s25] =	stream.linear.scatter @!p5 [tilespmem:s26], [sflag:$0x2], $0x8000, $0x38;
	[tilespmem:$0x17400] =	vst v63  }
0x79: {  	p5 =	sne.s32 s21, s18  }
.Ltmp10:
0x7a: {  	_ = 	snop;
	(pc) =	sbr.rel @p5 .LBB2_14-.Ltmp10, $4  }
0x7b: {  	_ = 	snop  }
0x7c: {  	s23 =	smov.u32 @p4 s21;
	s22 =	sadd.s32 @p0 s3, s22;
	s24 =	simm.s32 @p0 $0xF400  }
0x7d: {  	[hbm4b:s22+s20] =	stream.linear.scatter @p0 [tilespmem:s24], [sflag:$0x2], $0x8000, $0x38;
	[tilespmem:$0x17400] =	vst v63  }
0x7e: {  	v4 =	vmov s23  }
0x7f: {  	p5 =	por p4, p4  }
.LBB2_16:
0x80: {  	v2 =	vpsel p5, v2, v3;
	vm2 =	veq.s32 v4, v0  }
0x81: {  	p4 =	sne.s32 @p3 s19, $0x0;
	v3, _, _ =	vpop @p1 (xrf0);
	v2 =	vnsel vm2, $0x0, v2  }
0x82: {  	s21 =	spop @p3 (v2sf);
	p4 =	por p4, !p3;
	(v2sf) =	vpush @p1 v3, $0xF;
	(xrf0) =	vadd.scan.msk.s32 $0xffff, v2  }
0x83: {  	p3 =	por !p0, !p3;
	s22 =	sshll.u32 @!p4 s21, $0xC  }
0x84: {  	s23 =	simm.s32 @!p4 $0x0;
	s21 =	sshll.u32 @!p3 s21, $0xC;
	s22 =	sand.u32 @!p4 $0x1FFFF000, s22  }
0x85: {  	s24 =	simm.s32 @!p4 $0x7400;
	s21 =	sand.u32 @!p3 $0x1FFFF000, s21;
	s22 =	sadd.s32 @!p4 s3, s22  }
0x86: {  	[hbm4b:s22+s23] =	stream.linear.scatter @!p4 [tilespmem:s24], [sflag:$0x2], $0x8000, $0x38;
	[tilespmem:$0x17400] =	vst v63  }
0x87: {  	s21 =	sadd.s32 @!p3 s3, s21;
	s22 =	simm.s32 @!p3 $0xF400;
	p4 =	sne.s32 @p2 s19, $0x0  }
0x88: {  	[hbm4b:s21+s20] =	stream.linear.scatter @!p3 [tilespmem:s22], [sflag:$0x2], $0x8000, $0x38;
	v2, _, _ =	vpop (xrf0);
	[tilespmem:$0x17400] =	vst v63  }
0x89: {  	p4 =	por p4, !p2;
	s20 =	spop @p2 (v2sf);
	(v2sf) =	vpush v2, $0xF  }
0x8a: {  	p3 =	por !p0, !p2;
	s23 =	simm.s32 @!p4 $0x0;
	s22 =	sshll.u32 @!p4 s20, $0xC  }
0x8b: {  	s24 =	simm.s32 @!p4 $0x7400;
	s20 =	sshll.u32 @!p3 s20, $0xC;
	s22 =	sand.u32 @!p4 $0x1FFFF000, s22  }
0x8c: {  	s21 =	simm.s32 @!p3 $0x0;
	s20 =	sand.u32 @!p3 $0x1FFFF000, s20;
	s22 =	sadd.s32 @!p4 s3, s22  }
0x8d: {  	[hbm4b:s22+s23] =	stream.linear.scatter @!p4 [tilespmem:s24], [sflag:$0x2], $0x8000, $0x38;
	[tilespmem:$0x17400] =	vst v63  }
0x8e: {  	s21 =	smov.u32 @p2 s21;
	s20 =	sadd.s32 @!p3 s3, s20;
	s22 =	simm.s32 @!p3 $0xF400  }
0x8f: {  	[hbm4b:s20+s21] =	stream.linear.scatter @!p3 [tilespmem:s22], [sflag:$0x2], $0x8000, $0x38;
	[tilespmem:$0x17400] =	vst v63  }
0x90: {  	p3 =	sne.s32 @p1 s19, $0x0  }
0x91: {  	p2 =	por !p0, !p1;
	p3 =	por p3, !p1;
	s20 =	spop @p1 (v2sf)  }
0x92: {  	s21 =	simm.s32 @!p2 $0x0;
	s22 =	sshll.u32 @!p3 s20, $0xC  }
0x93: {  	s23 =	simm.s32 @!p3 $0x0;
	s20 =	sshll.u32 @!p2 s20, $0xC;
	s22 =	sand.u32 @!p3 $0x1FFFF000, s22  }
0x94: {  	s24 =	simm.s32 @!p3 $0x7400;
	s20 =	sand.u32 @!p2 $0x1FFFF000, s20;
	s22 =	sadd.s32 @!p3 s3, s22  }
0x95: {  	[hbm4b:s22+s23] =	stream.linear.scatter @!p3 [tilespmem:s24], [sflag:$0x2], $0x8000, $0x38;
	[tilespmem:$0x17400] =	vst v63  }
0x96: {  	s21 =	smov.u32 @p1 s21;
	s20 =	sadd.s32 @!p2 s3, s20;
	s22 =	simm.s32 @!p2 $0xF400  }
0x97: {  	[hbm4b:s20+s21] =	stream.linear.scatter @!p2 [tilespmem:s22], [sflag:$0x2], $0x8000, $0x38;
	[tilespmem:$0x17400] =	vst v63  }
0x98: {  	p1 =	sne.s32 s19, $0x0;
	s20 =	spop (v2sf)  }
0x99: {  	s21 =	sshll.u32 @!p1 s20, $0xC  }
0x9a: {  	s23 =	simm.s32 @!p1 $0x7400;
	s20 =	sshll.u32 @p0 s20, $0xC;
	s21 =	sand.u32 @!p1 $0x1FFFF000, s21  }
0x9b: {  	s22 =	simm.s32 @!p1 $0x0;
	s20 =	sand.u32 @p0 $0x1FFFF000, s20;
	s21 =	sadd.s32 @!p1 s3, s21  }
0x9c: {  	[hbm4b:s21+s22] =	stream.linear.scatter @!p1 [tilespmem:s23], [sflag:$0x2], $0x8000, $0x38;
	[tilespmem:$0x17400] =	vst v63  }
0x9d: {  	s20 =	sadd.s32 @p0 s3, s20;
	s21 =	simm.s32 @p0 $0x0;
	s22 =	simm.s32 @p0 $0xF400  }
0x9e: {  	[hbm4b:s20+s21] =	stream.linear.scatter @p0 [tilespmem:s22], [sflag:$0x2], $0x8000, $0x38;
	[tilespmem:$0x17400] =	vst v63  }
.LBB2_17:
0x9f: {  	p1 =	sne.s32 s19, $0x0  }
0xa0: {  	p2 =	slt.s32 @!p1 s17, $0x1  }
0xa1: {  	p1 =	por p2, p1  }
0xa2: {  	s19 =	sshll.u32 @!p1 s17, $0xF  }
0xa3: {  	p6 =	slt.s32 s17, $0x1;
	p0 =	por !p0, !p0;
	s19 =	sadd.s32 @!p1 $0xFFFF8000, s19  }
0xa4: {  	p0 =	por p6, p0;
	s19 =	sshrl.u32 @!p1 s19, $0x3  }
0xa5: {  	s20 =	simm.s32 @!p1 $0x0;
	s21 =	simm.s32 @!p1 $0x7400;
	s19 =	sadd.s32 @!p1 s2, s19  }
0xa6: {  	[hbm4b:s19+s20] =	stream.linear.scatter @!p1 [tilespmem:s21], [sflag:$0x2], $0x8000, $0x38;
	[tilespmem:$0x17400] =	vst v63  }
0xa7: {  	s19 =	sshll.u32 @!p0 s17, $0xF  }
0xa8: {  	s19 =	sadd.s32 @!p0 $0xFFFF8000, s19  }
0xa9: {  	s19 =	sshrl.u32 @!p0 s19, $0x3  }
0xaa: {  	s20 =	simm.s32 @!p0 $0x0;
	s21 =	simm.s32 @!p0 $0xF400;
	s19 =	sadd.s32 @!p0 s2, s19  }
0xab: {  	[hbm4b:s19+s20] =	stream.linear.scatter @!p0 [tilespmem:s21], [sflag:$0x2], $0x8000, $0x38;
	[tilespmem:$0x17400] =	vst v63  }
0xac: {  	p0 =	sgt.s32 s17, $0x0;
	s17 =	simm.s32 $0x1  }
0xad: {  	s17 =	simm.s32 @!p0 $0x0  }
0xae: {  	s17 =	sadd.s32 s17, s18  }
0xaf: {  	p0 =	slt.s32 s17, $0x1  }
.Ltmp11:
0xb0: {  	_ = 	snop;
	(pc) =	sbr.rel @p0 .LBB2_4-.Ltmp11, $1  }
0xb1: {  	_ =	sdelay $0x3  }
0xb2: {  	p0 =	seq.s32 s17, $0x1  }
.Ltmp12:
0xb3: {  	_ = 	snop;
	(pc) =	sbr.rel @p0 .LBB2_20-.Ltmp12, $3  }
0xb4: {  	_ =	sdelay $0x1  }
0xb5: {  	_ =	swait.ge [sflag:s13], $0x8000  }
0xb6: {  	s17 =	sadd.s32 $0xFFFFFFFF, s17;
	[sflag:s13] =	ssyncset.done $0x0  }
.LBB2_19:
0xb7: {  	p0 =	seq.s32 s17, $0x1;
	s17 =	sadd.s32 $0xFFFFFFFF, s17;
	[sflag:s13] =	ssyncadd.s32 $0xFFFF8000  }
.Ltmp13:
0xb8: {  	(pc) =	sbr.rel @!p0 .LBB2_19-.Ltmp13, $3  }
0xb9: {  	_ =	sdelay $0x1  }
0xba: {  	_ =	swait.ge [sflag:s13], $0x8000  }
0xbb: {  	[sflag:s13] =	ssyncset.done $0x0  }
.Ltmp14:
0xbc: {  	_ = 	snop;
	(pc) =	sbr.rel .LBB2_20-.Ltmp14, $1  }
0xbd: {  	_ =	sdelay $0x3  }
.LBB2_7:
.Ltmp15:
0xbe: {  	(pc) =	sbr.rel .LBB2_16-.Ltmp15, $2  }
0xbf: {  	_ =	sdelay $0x2  }
0xc0: {  	_ = 	snop  }
.LBB2_9:
.Ltmp16:
0xc1: {  	(pc) =	sbr.rel .LBB2_16-.Ltmp16, $2  }
0xc2: {  	_ =	sdelay $0x2  }
0xc3: {  	p5 =	por p4, p4  }
.LBB2_11:
.Ltmp17:
0xc4: {  	(pc) =	sbr.rel .LBB2_16-.Ltmp17, $2  }
0xc5: {  	_ =	sdelay $0x2  }
0xc6: {  	_ = 	snop  }
.LBB2_13:
.Ltmp18:
0xc7: {  	(pc) =	sbr.rel .LBB2_16-.Ltmp18, $2  }
0xc8: {  	_ =	sdelay $0x2  }
0xc9: {  	p5 =	por p4, p4  }
.LBB2_3:
0xca: {  	_ =	sfence.sel $0x180000  }
0xcb: {  	[bflag:$0x0] =	sbarrier.arrive $0xFFFF  }
0xcc: {  	p0 =	sne.s32 s5, $0x0;
	_ =	strace $0x90000047  }
0xcd: {  	s0 =	sadd.s32 @!p0 $0x100000, s0;
	[bflag:$0x2] =	sbarrier.arrive $0xFFFF  }
0xce: {  	[sflag:s0] =	ssyncadd.tile.s32 @!p0 $0x1;
	_ =	shalt  }
.Lfunc_end2:
_tile_overlayer_lowered:
.L_overlay_start_2:
0xcf: {  	(tag) =	ssettag $0x2  }
0xd0: {  	s0 =	rddreg [dreg:$0x0];
	s2 =	stileid.u32  }
0xd1: {  	s1 =	rddreg [dreg:$0x1];
	p0 =	sne.s32 s2, $0x0  }
0xd2: {  	s3 =	rddreg [dreg:$0x2];
	[bflag:$0x3] =	sbarrier.arrive $0xFFFF;
	s2 =	simm.s32 @!p0 $0x1C03  }
0xd3: {  	[timem:s3], [sflag:s2] =	dma.local @!p0 [hbm:s0], s1  }
0xd4: {  	s0 =	simm.s32 @!p0 $0x3  }
0xd5: {  	_ =	swait.ge @!p0 [sflag:s0], s1  }
0xd6: {  	s1 =	ssub.s32 @!p0 $0x0, s1;
	[sflag:s0] =	ssyncset.done @!p0 $0x0  }
0xd7: {  	[sflag:s0] =	ssyncadd.s32 @!p0 s1  }
0xd8: {  	[bflag:$0x3] =	sbarrier.arrive $0xFFFF  }
0xd9: {  	_ =	shalt  }

</sc_bundles>
